<compile_context>
chip_gen: v7x
topology: tpu7x:2x2x1
jax: 0.10.2.dev20260603
libtpu: 0.0.44.dev20260713+nightly
codegen_flags: <defaults>
</compile_context>

<pallas_src>
import functools

import jax
import jax.numpy as jnp
from jax import lax
from jax.experimental import pallas as pl
from jax.experimental.pallas import tpu as pltpu
from jax.experimental.pallas import tpu_sc as plsc

_FULL_PERM = (3, 0, 5, 1, 4, 2, 9, 6, 11, 7, 10, 8, 12)


def kernel(chromatogram_batch):
    x = chromatogram_batch
    B, C, D = x.shape

    info = plsc.get_sparse_core_info()
    NC, NS = info.num_cores, info.num_subcores
    NW = NC * NS
    nb = B // NW

    x_t = jnp.transpose(x, (1, 0, 2))
    mesh = plsc.VectorSubcoreMesh(core_axis_name="c", subcore_axis_name="s")

    NBUF = 3
    CB = nb // 2
    NT = C * 2

    @functools.partial(
        pl.kernel,
        mesh=mesh,
        out_type=jax.ShapeDtypeStruct((C, B, D), jnp.float32),
        scratch_types=[
            [pltpu.VMEM((1, CB, D), jnp.float32) for _ in range(NBUF)],
            [pltpu.SemaphoreType.DMA for _ in range(NBUF)],
            [pltpu.SemaphoreType.DMA for _ in range(NBUF)],
        ],
    )
    def shuffle(x_hbm, o_hbm, bufs, isems, osems):
        wid = lax.axis_index("s") * NC + lax.axis_index("c")
        b0 = wid * nb

        def src(t):
            j, h = divmod(t, NT // C)
            return x_hbm.at[pl.ds(_FULL_PERM[j], 1), pl.ds(b0 + h * CB, CB)]

        def dst(t):
            j, h = divmod(t, NT // C)
            return o_hbm.at[pl.ds(j, 1), pl.ds(b0 + h * CB, CB)]

        inh = {}
        outh = {}
        for t in range(NT):
            b = t % NBUF
            if t >= NBUF:
                outh[t - NBUF].wait()
            inh[t] = pltpu.async_copy(src(t), bufs[b], isems[b])
            if t >= 1:
                pb = (t - 1) % NBUF
                inh[t - 1].wait()
                outh[t - 1] = pltpu.async_copy(bufs[pb], dst(t - 1), osems[pb])
        inh[NT - 1].wait()
        outh[NT - 1] = pltpu.async_copy(bufs[(NT - 1) % NBUF], dst(NT - 1), osems[(NT - 1) % NBUF])
        for t in range(NT - NBUF, NT):
            outh[t].wait()

    out_t = shuffle(x_t)
    return jnp.transpose(out_t, (1, 0, 2))

# --- scband reference (transcript-rebuilt; emitter-appended) ---
"""Pipeline reference for scband-chromatogram-shuffler-23811298690060 (READ-ONLY COPY).

The authoritative reference and input builder live on the scoring server;
editing this copy changes nothing except your own understanding.
"""

import jax, jax.numpy as jnp
import numpy as np

MZ_BINS = 6
P = 0.5
# Deterministic stand-ins for torch RNG: always take the shuffle branch
# (torch.rand(1) >= p) and use a fixed permutation of 6 elements
# (stand-in for torch.randperm(6)).
SHUFFLED_INDICES = jnp.array([3, 0, 5, 1, 4, 2], dtype=jnp.int32)


def setup_inputs(seed: int = 0) -> dict:
    key = jax.random.key(seed)
    chromatogram_batch = jax.random.normal(key, (4096, 13, 512), dtype=jnp.float32)
    return {"chromatogram_batch": chromatogram_batch}


def reference(chromatogram_batch):
    x = chromatogram_batch
    perm = SHUFFLED_INDICES
    N = MZ_BINS // 6  # = 1
    start = MZ_BINS
    if x.shape[1] - start != 7:
        start += N
    end = start + 6
    if N == 1:
        # shuffle the first mz_bins channels
        x = x.at[:, 0:MZ_BINS].set(x[:, 0:MZ_BINS][:, perm])
    else:
        # torch code reshapes but never assigns the result -> no-op; keep faithful
        b, M, n = x.shape
        _ = x.reshape(b, M, -1, n)[:, perm].reshape(b, -1, n)
    # shuffle the [start:end] channel block with the same permutation
    x = x.at[:, start:end].set(x[:, start:end][:, perm])
    return x

if __name__ == "__main__":
    import jax
    _d = setup_inputs()
    print(jax.jit(kernel)(*tuple(_d.values())))

</pallas_src>

<mosaic_0001>
#map = affine_map<(d0, d1) -> (0, 0, 0)>
module attributes {stable_mosaic.version = 14 : i64} {
  func.func @shuffle(%arg0: i32, %arg1: i32, %arg2: memref<13x4096x512xf32, #tpu.memory_space<hbm>>, %arg3: memref<13x4096x512xf32, #tpu.memory_space<hbm>>, %arg4: memref<1x64x512xf32, #tpu.memory_space<vmem>>, %arg5: memref<1x64x512xf32, #tpu.memory_space<vmem>>, %arg6: memref<1x64x512xf32, #tpu.memory_space<vmem>>, %arg7: memref<!tpu.dma_semaphore, #tpu.memory_space<semaphore_mem>>, %arg8: memref<!tpu.dma_semaphore, #tpu.memory_space<semaphore_mem>>, %arg9: memref<!tpu.dma_semaphore, #tpu.memory_space<semaphore_mem>>, %arg10: memref<!tpu.dma_semaphore, #tpu.memory_space<semaphore_mem>>, %arg11: memref<!tpu.dma_semaphore, #tpu.memory_space<semaphore_mem>>, %arg12: memref<!tpu.dma_semaphore, #tpu.memory_space<semaphore_mem>>) attributes {dimension_semantics = [#tpu.dimension_semantics<core_parallel>, #tpu.dimension_semantics<subcore_parallel>], iteration_bounds = array<i64: 2, 16>, scalar_prefetch = 0 : i64, scratch_operands = 9 : i64, tpu.core_type = #tpu.core_type<sc_vector_subcore>, window_params = [{transform_indices = #map}, {transform_indices = #map}]} {
    %mul3A = arith.constant 2 : i32
    %mul3A_0 = arith.muli %arg1, %mul3A : i32
    %add3A = arith.addi %mul3A_0, %arg0 : i32
    %mul3A_1 = arith.constant 128 : i32
    %mul3A_2 = arith.muli %add3A, %mul3A_1 : i32
    %add3A_3 = arith.constant 0 : i32
    %add3A_4 = arith.addi %mul3A_2, %add3A_3 : i32
    %dma_start3A = arith.constant 3 : i32
    %dma_start3A_5 = arith.constant 0 : i32
    %dma_start3A_6 = tpu.memref_slice %arg2[%dma_start3A, %add3A_4, %dma_start3A_5] : memref<13x4096x512xf32, #tpu.memory_space<hbm>> -> memref<1x64x512xf32, #tpu.memory_space<hbm>>
    %dma_start3A_7 = arith.constant 3 : i32
    %dma_start3A_8 = arith.constant 0 : i32
    %dma_start3A_9 = tpu.memref_slice %arg2[%dma_start3A_7, %add3A_4, %dma_start3A_8] : memref<13x4096x512xf32, #tpu.memory_space<hbm>> -> memref<1x64x512xf32, #tpu.memory_space<hbm>>
    tpu.enqueue_dma source(%dma_start3A_9 : memref<1x64x512xf32, #tpu.memory_space<hbm>>) target(%arg4 : memref<1x64x512xf32, #tpu.memory_space<vmem>>) target_semaphore(%arg7 : memref<!tpu.dma_semaphore, #tpu.memory_space<semaphore_mem>>)
    %add3A_10 = arith.constant 64 : i32
    %add3A_11 = arith.addi %mul3A_2, %add3A_10 : i32
    %dma_start3A_12 = arith.constant 3 : i32
    %dma_start3A_13 = arith.constant 0 : i32
    %dma_start3A_14 = tpu.memref_slice %arg2[%dma_start3A_12, %add3A_11, %dma_start3A_13] : memref<13x4096x512xf32, #tpu.memory_space<hbm>> -> memref<1x64x512xf32, #tpu.memory_space<hbm>>
    %dma_start3A_15 = arith.constant 3 : i32
    %dma_start3A_16 = arith.constant 0 : i32
    %dma_start3A_17 = tpu.memref_slice %arg2[%dma_start3A_15, %add3A_11, %dma_start3A_16] : memref<13x4096x512xf32, #tpu.memory_space<hbm>> -> memref<1x64x512xf32, #tpu.memory_space<hbm>>
    tpu.enqueue_dma source(%dma_start3A_17 : memref<1x64x512xf32, #tpu.memory_space<hbm>>) target(%arg5 : memref<1x64x512xf32, #tpu.memory_space<vmem>>) target_semaphore(%arg8 : memref<!tpu.dma_semaphore, #tpu.memory_space<semaphore_mem>>)
    %dma_wait3A = arith.constant 3 : i32
    %dma_wait3A_18 = arith.constant 0 : i32
    %dma_wait3A_19 = tpu.memref_slice %arg2[%dma_wait3A, %add3A_4, %dma_wait3A_18] : memref<13x4096x512xf32, #tpu.memory_space<hbm>> -> memref<1x64x512xf32, #tpu.memory_space<hbm>>
    %dma_wait3A_20 = arith.constant 3 : i32
    %dma_wait3A_21 = arith.constant 0 : i32
    %dma_wait3A_22 = tpu.memref_slice %arg2[%dma_wait3A_20, %add3A_4, %dma_wait3A_21] : memref<13x4096x512xf32, #tpu.memory_space<hbm>> -> memref<1x64x512xf32, #tpu.memory_space<hbm>>
    tpu.wait_dma2 semaphore(%arg7 : memref<!tpu.dma_semaphore, #tpu.memory_space<semaphore_mem>>) src(%dma_wait3A_22 : memref<1x64x512xf32, #tpu.memory_space<hbm>>) dst(%arg4 : memref<1x64x512xf32, #tpu.memory_space<vmem>>)
    %add3A_23 = arith.constant 0 : i32
    %add3A_24 = arith.addi %mul3A_2, %add3A_23 : i32
    %dma_start3A_25 = arith.constant 0 : i32
    %dma_start3A_26 = arith.constant 0 : i32
    %dma_start3A_27 = tpu.memref_slice %arg3[%dma_start3A_25, %add3A_24, %dma_start3A_26] : memref<13x4096x512xf32, #tpu.memory_space<hbm>> -> memref<1x64x512xf32, #tpu.memory_space<hbm>>
    %dma_start3A_28 = arith.constant 0 : i32
    %dma_start3A_29 = arith.constant 0 : i32
    %dma_start3A_30 = tpu.memref_slice %arg3[%dma_start3A_28, %add3A_24, %dma_start3A_29] : memref<13x4096x512xf32, #tpu.memory_space<hbm>> -> memref<1x64x512xf32, #tpu.memory_space<hbm>>
    tpu.enqueue_dma source(%arg4 : memref<1x64x512xf32, #tpu.memory_space<vmem>>) target(%dma_start3A_30 : memref<1x64x512xf32, #tpu.memory_space<hbm>>) target_semaphore(%arg10 : memref<!tpu.dma_semaphore, #tpu.memory_space<semaphore_mem>>)
    %add3A_31 = arith.constant 0 : i32
    %add3A_32 = arith.addi %mul3A_2, %add3A_31 : i32
    %dma_start3A_33 = arith.constant 0 : i32
    %dma_start3A_34 = arith.constant 0 : i32
    %dma_start3A_35 = tpu.memref_slice %arg2[%dma_start3A_33, %add3A_32, %dma_start3A_34] : memref<13x4096x512xf32, #tpu.memory_space<hbm>> -> memref<1x64x512xf32, #tpu.memory_space<hbm>>
    %dma_start3A_36 = arith.constant 0 : i32
    %dma_start3A_37 = arith.constant 0 : i32
    %dma_start3A_38 = tpu.memref_slice %arg2[%dma_start3A_36, %add3A_32, %dma_start3A_37] : memref<13x4096x512xf32, #tpu.memory_space<hbm>> -> memref<1x64x512xf32, #tpu.memory_space<hbm>>
    tpu.enqueue_dma source(%dma_start3A_38 : memref<1x64x512xf32, #tpu.memory_space<hbm>>) target(%arg6 : memref<1x64x512xf32, #tpu.memory_space<vmem>>) target_semaphore(%arg9 : memref<!tpu.dma_semaphore, #tpu.memory_space<semaphore_mem>>)
    %dma_wait3A_39 = arith.constant 3 : i32
    %dma_wait3A_40 = arith.constant 0 : i32
    %dma_wait3A_41 = tpu.memref_slice %arg2[%dma_wait3A_39, %add3A_11, %dma_wait3A_40] : memref<13x4096x512xf32, #tpu.memory_space<hbm>> -> memref<1x64x512xf32, #tpu.memory_space<hbm>>
    %dma_wait3A_42 = arith.constant 3 : i32
    %dma_wait3A_43 = arith.constant 0 : i32
    %dma_wait3A_44 = tpu.memref_slice %arg2[%dma_wait3A_42, %add3A_11, %dma_wait3A_43] : memref<13x4096x512xf32, #tpu.memory_space<hbm>> -> memref<1x64x512xf32, #tpu.memory_space<hbm>>
    tpu.wait_dma2 semaphore(%arg8 : memref<!tpu.dma_semaphore, #tpu.memory_space<semaphore_mem>>) src(%dma_wait3A_44 : memref<1x64x512xf32, #tpu.memory_space<hbm>>) dst(%arg5 : memref<1x64x512xf32, #tpu.memory_space<vmem>>)
    %add3A_45 = arith.constant 64 : i32
    %add3A_46 = arith.addi %mul3A_2, %add3A_45 : i32
    %dma_start3A_47 = arith.constant 0 : i32
    %dma_start3A_48 = arith.constant 0 : i32
    %dma_start3A_49 = tpu.memref_slice %arg3[%dma_start3A_47, %add3A_46, %dma_start3A_48] : memref<13x4096x512xf32, #tpu.memory_space<hbm>> -> memref<1x64x512xf32, #tpu.memory_space<hbm>>
    %dma_start3A_50 = arith.constant 0 : i32
    %dma_start3A_51 = arith.constant 0 : i32
    %dma_start3A_52 = tpu.memref_slice %arg3[%dma_start3A_50, %add3A_46, %dma_start3A_51] : memref<13x4096x512xf32, #tpu.memory_space<hbm>> -> memref<1x64x512xf32, #tpu.memory_space<hbm>>
    tpu.enqueue_dma source(%arg5 : memref<1x64x512xf32, #tpu.memory_space<vmem>>) target(%dma_start3A_52 : memref<1x64x512xf32, #tpu.memory_space<hbm>>) target_semaphore(%arg11 : memref<!tpu.dma_semaphore, #tpu.memory_space<semaphore_mem>>)
    %dma_wait3A_53 = arith.constant 0 : i32
    %dma_wait3A_54 = arith.constant 0 : i32
    %dma_wait3A_55 = tpu.memref_slice %arg3[%dma_wait3A_53, %add3A_24, %dma_wait3A_54] : memref<13x4096x512xf32, #tpu.memory_space<hbm>> -> memref<1x64x512xf32, #tpu.memory_space<hbm>>
    %dma_wait3A_56 = arith.constant 0 : i32
    %dma_wait3A_57 = arith.constant 0 : i32
    %dma_wait3A_58 = tpu.memref_slice %arg3[%dma_wait3A_56, %add3A_24, %dma_wait3A_57] : memref<13x4096x512xf32, #tpu.memory_space<hbm>> -> memref<1x64x512xf32, #tpu.memory_space<hbm>>
    tpu.wait_dma2 semaphore(%arg10 : memref<!tpu.dma_semaphore, #tpu.memory_space<semaphore_mem>>) src(%arg4 : memref<1x64x512xf32, #tpu.memory_space<vmem>>) dst(%dma_wait3A_58 : memref<1x64x512xf32, #tpu.memory_space<hbm>>)
    %add3A_59 = arith.constant 64 : i32
    %add3A_60 = arith.addi %mul3A_2, %add3A_59 : i32
    %dma_start3A_61 = arith.constant 0 : i32
    %dma_start3A_62 = arith.constant 0 : i32
    %dma_start3A_63 = tpu.memref_slice %arg2[%dma_start3A_61, %add3A_60, %dma_start3A_62] : memref<13x4096x512xf32, #tpu.memory_space<hbm>> -> memref<1x64x512xf32, #tpu.memory_space<hbm>>
    %dma_start3A_64 = arith.constant 0 : i32
    %dma_start3A_65 = arith.constant 0 : i32
    %dma_start3A_66 = tpu.memref_slice %arg2[%dma_start3A_64, %add3A_60, %dma_start3A_65] : memref<13x4096x512xf32, #tpu.memory_space<hbm>> -> memref<1x64x512xf32, #tpu.memory_space<hbm>>
    tpu.enqueue_dma source(%dma_start3A_66 : memref<1x64x512xf32, #tpu.memory_space<hbm>>) target(%arg4 : memref<1x64x512xf32, #tpu.memory_space<vmem>>) target_semaphore(%arg7 : memref<!tpu.dma_semaphore, #tpu.memory_space<semaphore_mem>>)
    %dma_wait3A_67 = arith.constant 0 : i32
    %dma_wait3A_68 = arith.constant 0 : i32
    %dma_wait3A_69 = tpu.memref_slice %arg2[%dma_wait3A_67, %add3A_32, %dma_wait3A_68] : memref<13x4096x512xf32, #tpu.memory_space<hbm>> -> memref<1x64x512xf32, #tpu.memory_space<hbm>>
    %dma_wait3A_70 = arith.constant 0 : i32
    %dma_wait3A_71 = arith.constant 0 : i32
    %dma_wait3A_72 = tpu.memref_slice %arg2[%dma_wait3A_70, %add3A_32, %dma_wait3A_71] : memref<13x4096x512xf32, #tpu.memory_space<hbm>> -> memref<1x64x512xf32, #tpu.memory_space<hbm>>
    tpu.wait_dma2 semaphore(%arg9 : memref<!tpu.dma_semaphore, #tpu.memory_space<semaphore_mem>>) src(%dma_wait3A_72 : memref<1x64x512xf32, #tpu.memory_space<hbm>>) dst(%arg6 : memref<1x64x512xf32, #tpu.memory_space<vmem>>)
    %add3A_73 = arith.constant 0 : i32
    %add3A_74 = arith.addi %mul3A_2, %add3A_73 : i32
    %dma_start3A_75 = arith.constant 1 : i32
    %dma_start3A_76 = arith.constant 0 : i32
    %dma_start3A_77 = tpu.memref_slice %arg3[%dma_start3A_75, %add3A_74, %dma_start3A_76] : memref<13x4096x512xf32, #tpu.memory_space<hbm>> -> memref<1x64x512xf32, #tpu.memory_space<hbm>>
    %dma_start3A_78 = arith.constant 1 : i32
    %dma_start3A_79 = arith.constant 0 : i32
    %dma_start3A_80 = tpu.memref_slice %arg3[%dma_start3A_78, %add3A_74, %dma_start3A_79] : memref<13x4096x512xf32, #tpu.memory_space<hbm>> -> memref<1x64x512xf32, #tpu.memory_space<hbm>>
    tpu.enqueue_dma source(%arg6 : memref<1x64x512xf32, #tpu.memory_space<vmem>>) target(%dma_start3A_80 : memref<1x64x512xf32, #tpu.memory_space<hbm>>) target_semaphore(%arg12 : memref<!tpu.dma_semaphore, #tpu.memory_space<semaphore_mem>>)
    %dma_wait3A_81 = arith.constant 0 : i32
    %dma_wait3A_82 = arith.constant 0 : i32
    %dma_wait3A_83 = tpu.memref_slice %arg3[%dma_wait3A_81, %add3A_46, %dma_wait3A_82] : memref<13x4096x512xf32, #tpu.memory_space<hbm>> -> memref<1x64x512xf32, #tpu.memory_space<hbm>>
    %dma_wait3A_84 = arith.constant 0 : i32
    %dma_wait3A_85 = arith.constant 0 : i32
    %dma_wait3A_86 = tpu.memref_slice %arg3[%dma_wait3A_84, %add3A_46, %dma_wait3A_85] : memref<13x4096x512xf32, #tpu.memory_space<hbm>> -> memref<1x64x512xf32, #tpu.memory_space<hbm>>
    tpu.wait_dma2 semaphore(%arg11 : memref<!tpu.dma_semaphore, #tpu.memory_space<semaphore_mem>>) src(%arg5 : memref<1x64x512xf32, #tpu.memory_space<vmem>>) dst(%dma_wait3A_86 : memref<1x64x512xf32, #tpu.memory_space<hbm>>)
    %add3A_87 = arith.constant 0 : i32
    %add3A_88 = arith.addi %mul3A_2, %add3A_87 : i32
    %dma_start3A_89 = arith.constant 5 : i32
    %dma_start3A_90 = arith.constant 0 : i32
    %dma_start3A_91 = tpu.memref_slice %arg2[%dma_start3A_89, %add3A_88, %dma_start3A_90] : memref<13x4096x512xf32, #tpu.memory_space<hbm>> -> memref<1x64x512xf32, #tpu.memory_space<hbm>>
    %dma_start3A_92 = arith.constant 5 : i32
    %dma_start3A_93 = arith.constant 0 : i32
    %dma_start3A_94 = tpu.memref_slice %arg2[%dma_start3A_92, %add3A_88, %dma_start3A_93] : memref<13x4096x512xf32, #tpu.memory_space<hbm>> -> memref<1x64x512xf32, #tpu.memory_space<hbm>>
    tpu.enqueue_dma source(%dma_start3A_94 : memref<1x64x512xf32, #tpu.memory_space<hbm>>) target(%arg5 : memref<1x64x512xf32, #tpu.memory_space<vmem>>) target_semaphore(%arg8 : memref<!tpu.dma_semaphore, #tpu.memory_space<semaphore_mem>>)
    %dma_wait3A_95 = arith.constant 0 : i32
    %dma_wait3A_96 = arith.constant 0 : i32
    %dma_wait3A_97 = tpu.memref_slice %arg2[%dma_wait3A_95, %add3A_60, %dma_wait3A_96] : memref<13x4096x512xf32, #tpu.memory_space<hbm>> -> memref<1x64x512xf32, #tpu.memory_space<hbm>>
    %dma_wait3A_98 = arith.constant 0 : i32
    %dma_wait3A_99 = arith.constant 0 : i32
    %dma_wait3A_100 = tpu.memref_slice %arg2[%dma_wait3A_98, %add3A_60, %dma_wait3A_99] : memref<13x4096x512xf32, #tpu.memory_space<hbm>> -> memref<1x64x512xf32, #tpu.memory_space<hbm>>
    tpu.wait_dma2 semaphore(%arg7 : memref<!tpu.dma_semaphore, #tpu.memory_space<semaphore_mem>>) src(%dma_wait3A_100 : memref<1x64x512xf32, #tpu.memory_space<hbm>>) dst(%arg4 : memref<1x64x512xf32, #tpu.memory_space<vmem>>)
    %add3A_101 = arith.constant 64 : i32
    %add3A_102 = arith.addi %mul3A_2, %add3A_101 : i32
    %dma_start3A_103 = arith.constant 1 : i32
    %dma_start3A_104 = arith.constant 0 : i32
    %dma_start3A_105 = tpu.memref_slice %arg3[%dma_start3A_103, %add3A_102, %dma_start3A_104] : memref<13x4096x512xf32, #tpu.memory_space<hbm>> -> memref<1x64x512xf32, #tpu.memory_space<hbm>>
    %dma_start3A_106 = arith.constant 1 : i32
    %dma_start3A_107 = arith.constant 0 : i32
    %dma_start3A_108 = tpu.memref_slice %arg3[%dma_start3A_106, %add3A_102, %dma_start3A_107] : memref<13x4096x512xf32, #tpu.memory_space<hbm>> -> memref<1x64x512xf32, #tpu.memory_space<hbm>>
    tpu.enqueue_dma source(%arg4 : memref<1x64x512xf32, #tpu.memory_space<vmem>>) target(%dma_start3A_108 : memref<1x64x512xf32, #tpu.memory_space<hbm>>) target_semaphore(%arg10 : memref<!tpu.dma_semaphore, #tpu.memory_space<semaphore_mem>>)
    %dma_wait3A_109 = arith.constant 1 : i32
    %dma_wait3A_110 = arith.constant 0 : i32
    %dma_wait3A_111 = tpu.memref_slice %arg3[%dma_wait3A_109, %add3A_74, %dma_wait3A_110] : memref<13x4096x512xf32, #tpu.memory_space<hbm>> -> memref<1x64x512xf32, #tpu.memory_space<hbm>>
    %dma_wait3A_112 = arith.constant 1 : i32
    %dma_wait3A_113 = arith.constant 0 : i32
    %dma_wait3A_114 = tpu.memref_slice %arg3[%dma_wait3A_112, %add3A_74, %dma_wait3A_113] : memref<13x4096x512xf32, #tpu.memory_space<hbm>> -> memref<1x64x512xf32, #tpu.memory_space<hbm>>
    tpu.wait_dma2 semaphore(%arg12 : memref<!tpu.dma_semaphore, #tpu.memory_space<semaphore_mem>>) src(%arg6 : memref<1x64x512xf32, #tpu.memory_space<vmem>>) dst(%dma_wait3A_114 : memref<1x64x512xf32, #tpu.memory_space<hbm>>)
    %add3A_115 = arith.constant 64 : i32
    %add3A_116 = arith.addi %mul3A_2, %add3A_115 : i32
    %dma_start3A_117 = arith.constant 5 : i32
    %dma_start3A_118 = arith.constant 0 : i32
    %dma_start3A_119 = tpu.memref_slice %arg2[%dma_start3A_117, %add3A_116, %dma_start3A_118] : memref<13x4096x512xf32, #tpu.memory_space<hbm>> -> memref<1x64x512xf32, #tpu.memory_space<hbm>>
    %dma_start3A_120 = arith.constant 5 : i32
    %dma_start3A_121 = arith.constant 0 : i32
    %dma_start3A_122 = tpu.memref_slice %arg2[%dma_start3A_120, %add3A_116, %dma_start3A_121] : memref<13x4096x512xf32, #tpu.memory_space<hbm>> -> memref<1x64x512xf32, #tpu.memory_space<hbm>>
    tpu.enqueue_dma source(%dma_start3A_122 : memref<1x64x512xf32, #tpu.memory_space<hbm>>) target(%arg6 : memref<1x64x512xf32, #tpu.memory_space<vmem>>) target_semaphore(%arg9 : memref<!tpu.dma_semaphore, #tpu.memory_space<semaphore_mem>>)
    %dma_wait3A_123 = arith.constant 5 : i32
    %dma_wait3A_124 = arith.constant 0 : i32
    %dma_wait3A_125 = tpu.memref_slice %arg2[%dma_wait3A_123, %add3A_88, %dma_wait3A_124] : memref<13x4096x512xf32, #tpu.memory_space<hbm>> -> memref<1x64x512xf32, #tpu.memory_space<hbm>>
    %dma_wait3A_126 = arith.constant 5 : i32
    %dma_wait3A_127 = arith.constant 0 : i32
    %dma_wait3A_128 = tpu.memref_slice %arg2[%dma_wait3A_126, %add3A_88, %dma_wait3A_127] : memref<13x4096x512xf32, #tpu.memory_space<hbm>> -> memref<1x64x512xf32, #tpu.memory_space<hbm>>
    tpu.wait_dma2 semaphore(%arg8 : memref<!tpu.dma_semaphore, #tpu.memory_space<semaphore_mem>>) src(%dma_wait3A_128 : memref<1x64x512xf32, #tpu.memory_space<hbm>>) dst(%arg5 : memref<1x64x512xf32, #tpu.memory_space<vmem>>)
    %add3A_129 = arith.constant 0 : i32
    %add3A_130 = arith.addi %mul3A_2, %add3A_129 : i32
    %dma_start3A_131 = arith.constant 2 : i32
    %dma_start3A_132 = arith.constant 0 : i32
    %dma_start3A_133 = tpu.memref_slice %arg3[%dma_start3A_131, %add3A_130, %dma_start3A_132] : memref<13x4096x512xf32, #tpu.memory_space<hbm>> -> memref<1x64x512xf32, #tpu.memory_space<hbm>>
    %dma_start3A_134 = arith.constant 2 : i32
    %dma_start3A_135 = arith.constant 0 : i32
    %dma_start3A_136 = tpu.memref_slice %arg3[%dma_start3A_134, %add3A_130, %dma_start3A_135] : memref<13x4096x512xf32, #tpu.memory_space<hbm>> -> memref<1x64x512xf32, #tpu.memory_space<hbm>>
    tpu.enqueue_dma source(%arg5 : memref<1x64x512xf32, #tpu.memory_space<vmem>>) target(%dma_start3A_136 : memref<1x64x512xf32, #tpu.memory_space<hbm>>) target_semaphore(%arg11 : memref<!tpu.dma_semaphore, #tpu.memory_space<semaphore_mem>>)
    %dma_wait3A_137 = arith.constant 1 : i32
    %dma_wait3A_138 = arith.constant 0 : i32
    %dma_wait3A_139 = tpu.memref_slice %arg3[%dma_wait3A_137, %add3A_102, %dma_wait3A_138] : memref<13x4096x512xf32, #tpu.memory_space<hbm>> -> memref<1x64x512xf32, #tpu.memory_space<hbm>>
    %dma_wait3A_140 = arith.constant 1 : i32
    %dma_wait3A_141 = arith.constant 0 : i32
    %dma_wait3A_142 = tpu.memref_slice %arg3[%dma_wait3A_140, %add3A_102, %dma_wait3A_141] : memref<13x4096x512xf32, #tpu.memory_space<hbm>> -> memref<1x64x512xf32, #tpu.memory_space<hbm>>
    tpu.wait_dma2 semaphore(%arg10 : memref<!tpu.dma_semaphore, #tpu.memory_space<semaphore_mem>>) src(%arg4 : memref<1x64x512xf32, #tpu.memory_space<vmem>>) dst(%dma_wait3A_142 : memref<1x64x512xf32, #tpu.memory_space<hbm>>)
    %add3A_143 = arith.constant 0 : i32
    %add3A_144 = arith.addi %mul3A_2, %add3A_143 : i32
    %dma_start3A_145 = arith.constant 1 : i32
    %dma_start3A_146 = arith.constant 0 : i32
    %dma_start3A_147 = tpu.memref_slice %arg2[%dma_start3A_145, %add3A_144, %dma_start3A_146] : memref<13x4096x512xf32, #tpu.memory_space<hbm>> -> memref<1x64x512xf32, #tpu.memory_space<hbm>>
    %dma_start3A_148 = arith.constant 1 : i32
    %dma_start3A_149 = arith.constant 0 : i32
    %dma_start3A_150 = tpu.memref_slice %arg2[%dma_start3A_148, %add3A_144, %dma_start3A_149] : memref<13x4096x512xf32, #tpu.memory_space<hbm>> -> memref<1x64x512xf32, #tpu.memory_space<hbm>>
    tpu.enqueue_dma source(%dma_start3A_150 : memref<1x64x512xf32, #tpu.memory_space<hbm>>) target(%arg4 : memref<1x64x512xf32, #tpu.memory_space<vmem>>) target_semaphore(%arg7 : memref<!tpu.dma_semaphore, #tpu.memory_space<semaphore_mem>>)
    %dma_wait3A_151 = arith.constant 5 : i32
    %dma_wait3A_152 = arith.constant 0 : i32
    %dma_wait3A_153 = tpu.memref_slice %arg2[%dma_wait3A_151, %add3A_116, %dma_wait3A_152] : memref<13x4096x512xf32, #tpu.memory_space<hbm>> -> memref<1x64x512xf32, #tpu.memory_space<hbm>>
    %dma_wait3A_154 = arith.constant 5 : i32
    %dma_wait3A_155 = arith.constant 0 : i32
    %dma_wait3A_156 = tpu.memref_slice %arg2[%dma_wait3A_154, %add3A_116, %dma_wait3A_155] : memref<13x4096x512xf32, #tpu.memory_space<hbm>> -> memref<1x64x512xf32, #tpu.memory_space<hbm>>
    tpu.wait_dma2 semaphore(%arg9 : memref<!tpu.dma_semaphore, #tpu.memory_space<semaphore_mem>>) src(%dma_wait3A_156 : memref<1x64x512xf32, #tpu.memory_space<hbm>>) dst(%arg6 : memref<1x64x512xf32, #tpu.memory_space<vmem>>)
    %add3A_157 = arith.constant 64 : i32
    %add3A_158 = arith.addi %mul3A_2, %add3A_157 : i32
    %dma_start3A_159 = arith.constant 2 : i32
    %dma_start3A_160 = arith.constant 0 : i32
    %dma_start3A_161 = tpu.memref_slice %arg3[%dma_start3A_159, %add3A_158, %dma_start3A_160] : memref<13x4096x512xf32, #tpu.memory_space<hbm>> -> memref<1x64x512xf32, #tpu.memory_space<hbm>>
    %dma_start3A_162 = arith.constant 2 : i32
    %dma_start3A_163 = arith.constant 0 : i32
    %dma_start3A_164 = tpu.memref_slice %arg3[%dma_start3A_162, %add3A_158, %dma_start3A_163] : memref<13x4096x512xf32, #tpu.memory_space<hbm>> -> memref<1x64x512xf32, #tpu.memory_space<hbm>>
    tpu.enqueue_dma source(%arg6 : memref<1x64x512xf32, #tpu.memory_space<vmem>>) target(%dma_start3A_164 : memref<1x64x512xf32, #tpu.memory_space<hbm>>) target_semaphore(%arg12 : memref<!tpu.dma_semaphore, #tpu.memory_space<semaphore_mem>>)
    %dma_wait3A_165 = arith.constant 2 : i32
    %dma_wait3A_166 = arith.constant 0 : i32
    %dma_wait3A_167 = tpu.memref_slice %arg3[%dma_wait3A_165, %add3A_130, %dma_wait3A_166] : memref<13x4096x512xf32, #tpu.memory_space<hbm>> -> memref<1x64x512xf32, #tpu.memory_space<hbm>>
    %dma_wait3A_168 = arith.constant 2 : i32
    %dma_wait3A_169 = arith.constant 0 : i32
    %dma_wait3A_170 = tpu.memref_slice %arg3[%dma_wait3A_168, %add3A_130, %dma_wait3A_169] : memref<13x4096x512xf32, #tpu.memory_space<hbm>> -> memref<1x64x512xf32, #tpu.memory_space<hbm>>
    tpu.wait_dma2 semaphore(%arg11 : memref<!tpu.dma_semaphore, #tpu.memory_space<semaphore_mem>>) src(%arg5 : memref<1x64x512xf32, #tpu.memory_space<vmem>>) dst(%dma_wait3A_170 : memref<1x64x512xf32, #tpu.memory_space<hbm>>)
    %add3A_171 = arith.constant 64 : i32
    %add3A_172 = arith.addi %mul3A_2, %add3A_171 : i32
    %dma_start3A_173 = arith.constant 1 : i32
    %dma_start3A_174 = arith.constant 0 : i32
    %dma_start3A_175 = tpu.memref_slice %arg2[%dma_start3A_173, %add3A_172, %dma_start3A_174] : memref<13x4096x512xf32, #tpu.memory_space<hbm>> -> memref<1x64x512xf32, #tpu.memory_space<hbm>>
    %dma_start3A_176 = arith.constant 1 : i32
    %dma_start3A_177 = arith.constant 0 : i32
    %dma_start3A_178 = tpu.memref_slice %arg2[%dma_start3A_176, %add3A_172, %dma_start3A_177] : memref<13x4096x512xf32, #tpu.memory_space<hbm>> -> memref<1x64x512xf32, #tpu.memory_space<hbm>>
    tpu.enqueue_dma source(%dma_start3A_178 : memref<1x64x512xf32, #tpu.memory_space<hbm>>) target(%arg5 : memref<1x64x512xf32, #tpu.memory_space<vmem>>) target_semaphore(%arg8 : memref<!tpu.dma_semaphore, #tpu.memory_space<semaphore_mem>>)
    %dma_wait3A_179 = arith.constant 1 : i32
    %dma_wait3A_180 = arith.constant 0 : i32
    %dma_wait3A_181 = tpu.memref_slice %arg2[%dma_wait3A_179, %add3A_144, %dma_wait3A_180] : memref<13x4096x512xf32, #tpu.memory_space<hbm>> -> memref<1x64x512xf32, #tpu.memory_space<hbm>>
    %dma_wait3A_182 = arith.constant 1 : i32
    %dma_wait3A_183 = arith.constant 0 : i32
    %dma_wait3A_184 = tpu.memref_slice %arg2[%dma_wait3A_182, %add3A_144, %dma_wait3A_183] : memref<13x4096x512xf32, #tpu.memory_space<hbm>> -> memref<1x64x512xf32, #tpu.memory_space<hbm>>
    tpu.wait_dma2 semaphore(%arg7 : memref<!tpu.dma_semaphore, #tpu.memory_space<semaphore_mem>>) src(%dma_wait3A_184 : memref<1x64x512xf32, #tpu.memory_space<hbm>>) dst(%arg4 : memref<1x64x512xf32, #tpu.memory_space<vmem>>)
    %add3A_185 = arith.constant 0 : i32
    %add3A_186 = arith.addi %mul3A_2, %add3A_185 : i32
    %dma_start3A_187 = arith.constant 3 : i32
    %dma_start3A_188 = arith.constant 0 : i32
    %dma_start3A_189 = tpu.memref_slice %arg3[%dma_start3A_187, %add3A_186, %dma_start3A_188] : memref<13x4096x512xf32, #tpu.memory_space<hbm>> -> memref<1x64x512xf32, #tpu.memory_space<hbm>>
    %dma_start3A_190 = arith.constant 3 : i32
    %dma_start3A_191 = arith.constant 0 : i32
    %dma_start3A_192 = tpu.memref_slice %arg3[%dma_start3A_190, %add3A_186, %dma_start3A_191] : memref<13x4096x512xf32, #tpu.memory_space<hbm>> -> memref<1x64x512xf32, #tpu.memory_space<hbm>>
    tpu.enqueue_dma source(%arg4 : memref<1x64x512xf32, #tpu.memory_space<vmem>>) target(%dma_start3A_192 : memref<1x64x512xf32, #tpu.memory_space<hbm>>) target_semaphore(%arg10 : memref<!tpu.dma_semaphore, #tpu.memory_space<semaphore_mem>>)
    %dma_wait3A_193 = arith.constant 2 : i32
    %dma_wait3A_194 = arith.constant 0 : i32
    %dma_wait3A_195 = tpu.memref_slice %arg3[%dma_wait3A_193, %add3A_158, %dma_wait3A_194] : memref<13x4096x512xf32, #tpu.memory_space<hbm>> -> memref<1x64x512xf32, #tpu.memory_space<hbm>>
    %dma_wait3A_196 = arith.constant 2 : i32
    %dma_wait3A_197 = arith.constant 0 : i32
    %dma_wait3A_198 = tpu.memref_slice %arg3[%dma_wait3A_196, %add3A_158, %dma_wait3A_197] : memref<13x4096x512xf32, #tpu.memory_space<hbm>> -> memref<1x64x512xf32, #tpu.memory_space<hbm>>
    tpu.wait_dma2 semaphore(%arg12 : memref<!tpu.dma_semaphore, #tpu.memory_space<semaphore_mem>>) src(%arg6 : memref<1x64x512xf32, #tpu.memory_space<vmem>>) dst(%dma_wait3A_198 : memref<1x64x512xf32, #tpu.memory_space<hbm>>)
    %add3A_199 = arith.constant 0 : i32
    %add3A_200 = arith.addi %mul3A_2, %add3A_199 : i32
    %dma_start3A_201 = arith.constant 4 : i32
    %dma_start3A_202 = arith.constant 0 : i32
    %dma_start3A_203 = tpu.memref_slice %arg2[%dma_start3A_201, %add3A_200, %dma_start3A_202] : memref<13x4096x512xf32, #tpu.memory_space<hbm>> -> memref<1x64x512xf32, #tpu.memory_space<hbm>>
    %dma_start3A_204 = arith.constant 4 : i32
    %dma_start3A_205 = arith.constant 0 : i32
    %dma_start3A_206 = tpu.memref_slice %arg2[%dma_start3A_204, %add3A_200, %dma_start3A_205] : memref<13x4096x512xf32, #tpu.memory_space<hbm>> -> memref<1x64x512xf32, #tpu.memory_space<hbm>>
    tpu.enqueue_dma source(%dma_start3A_206 : memref<1x64x512xf32, #tpu.memory_space<hbm>>) target(%arg6 : memref<1x64x512xf32, #tpu.memory_space<vmem>>) target_semaphore(%arg9 : memref<!tpu.dma_semaphore, #tpu.memory_space<semaphore_mem>>)
    %dma_wait3A_207 = arith.constant 1 : i32
    %dma_wait3A_208 = arith.constant 0 : i32
    %dma_wait3A_209 = tpu.memref_slice %arg2[%dma_wait3A_207, %add3A_172, %dma_wait3A_208] : memref<13x4096x512xf32, #tpu.memory_space<hbm>> -> memref<1x64x512xf32, #tpu.memory_space<hbm>>
    %dma_wait3A_210 = arith.constant 1 : i32
    %dma_wait3A_211 = arith.constant 0 : i32
    %dma_wait3A_212 = tpu.memref_slice %arg2[%dma_wait3A_210, %add3A_172, %dma_wait3A_211] : memref<13x4096x512xf32, #tpu.memory_space<hbm>> -> memref<1x64x512xf32, #tpu.memory_space<hbm>>
    tpu.wait_dma2 semaphore(%arg8 : memref<!tpu.dma_semaphore, #tpu.memory_space<semaphore_mem>>) src(%dma_wait3A_212 : memref<1x64x512xf32, #tpu.memory_space<hbm>>) dst(%arg5 : memref<1x64x512xf32, #tpu.memory_space<vmem>>)
    %add3A_213 = arith.constant 64 : i32
    %add3A_214 = arith.addi %mul3A_2, %add3A_213 : i32
    %dma_start3A_215 = arith.constant 3 : i32
    %dma_start3A_216 = arith.constant 0 : i32
    %dma_start3A_217 = tpu.memref_slice %arg3[%dma_start3A_215, %add3A_214, %dma_start3A_216] : memref<13x4096x512xf32, #tpu.memory_space<hbm>> -> memref<1x64x512xf32, #tpu.memory_space<hbm>>
    %dma_start3A_218 = arith.constant 3 : i32
    %dma_start3A_219 = arith.constant 0 : i32
    %dma_start3A_220 = tpu.memref_slice %arg3[%dma_start3A_218, %add3A_214, %dma_start3A_219] : memref<13x4096x512xf32, #tpu.memory_space<hbm>> -> memref<1x64x512xf32, #tpu.memory_space<hbm>>
    tpu.enqueue_dma source(%arg5 : memref<1x64x512xf32, #tpu.memory_space<vmem>>) target(%dma_start3A_220 : memref<1x64x512xf32, #tpu.memory_space<hbm>>) target_semaphore(%arg11 : memref<!tpu.dma_semaphore, #tpu.memory_space<semaphore_mem>>)
    %dma_wait3A_221 = arith.constant 3 : i32
    %dma_wait3A_222 = arith.constant 0 : i32
    %dma_wait3A_223 = tpu.memref_slice %arg3[%dma_wait3A_221, %add3A_186, %dma_wait3A_222] : memref<13x4096x512xf32, #tpu.memory_space<hbm>> -> memref<1x64x512xf32, #tpu.memory_space<hbm>>
    %dma_wait3A_224 = arith.constant 3 : i32
    %dma_wait3A_225 = arith.constant 0 : i32
    %dma_wait3A_226 = tpu.memref_slice %arg3[%dma_wait3A_224, %add3A_186, %dma_wait3A_225] : memref<13x4096x512xf32, #tpu.memory_space<hbm>> -> memref<1x64x512xf32, #tpu.memory_space<hbm>>
    tpu.wait_dma2 semaphore(%arg10 : memref<!tpu.dma_semaphore, #tpu.memory_space<semaphore_mem>>) src(%arg4 : memref<1x64x512xf32, #tpu.memory_space<vmem>>) dst(%dma_wait3A_226 : memref<1x64x512xf32, #tpu.memory_space<hbm>>)
    %add3A_227 = arith.constant 64 : i32
    %add3A_228 = arith.addi %mul3A_2, %add3A_227 : i32
    %dma_start3A_229 = arith.constant 4 : i32
    %dma_start3A_230 = arith.constant 0 : i32
    %dma_start3A_231 = tpu.memref_slice %arg2[%dma_start3A_229, %add3A_228, %dma_start3A_230] : memref<13x4096x512xf32, #tpu.memory_space<hbm>> -> memref<1x64x512xf32, #tpu.memory_space<hbm>>
    %dma_start3A_232 = arith.constant 4 : i32
    %dma_start3A_233 = arith.constant 0 : i32
    %dma_start3A_234 = tpu.memref_slice %arg2[%dma_start3A_232, %add3A_228, %dma_start3A_233] : memref<13x4096x512xf32, #tpu.memory_space<hbm>> -> memref<1x64x512xf32, #tpu.memory_space<hbm>>
    tpu.enqueue_dma source(%dma_start3A_234 : memref<1x64x512xf32, #tpu.memory_space<hbm>>) target(%arg4 : memref<1x64x512xf32, #tpu.memory_space<vmem>>) target_semaphore(%arg7 : memref<!tpu.dma_semaphore, #tpu.memory_space<semaphore_mem>>)
    %dma_wait3A_235 = arith.constant 4 : i32
    %dma_wait3A_236 = arith.constant 0 : i32
    %dma_wait3A_237 = tpu.memref_slice %arg2[%dma_wait3A_235, %add3A_200, %dma_wait3A_236] : memref<13x4096x512xf32, #tpu.memory_space<hbm>> -> memref<1x64x512xf32, #tpu.memory_space<hbm>>
    %dma_wait3A_238 = arith.constant 4 : i32
    %dma_wait3A_239 = arith.constant 0 : i32
    %dma_wait3A_240 = tpu.memref_slice %arg2[%dma_wait3A_238, %add3A_200, %dma_wait3A_239] : memref<13x4096x512xf32, #tpu.memory_space<hbm>> -> memref<1x64x512xf32, #tpu.memory_space<hbm>>
    tpu.wait_dma2 semaphore(%arg9 : memref<!tpu.dma_semaphore, #tpu.memory_space<semaphore_mem>>) src(%dma_wait3A_240 : memref<1x64x512xf32, #tpu.memory_space<hbm>>) dst(%arg6 : memref<1x64x512xf32, #tpu.memory_space<vmem>>)
    %add3A_241 = arith.constant 0 : i32
    %add3A_242 = arith.addi %mul3A_2, %add3A_241 : i32
    %dma_start3A_243 = arith.constant 4 : i32
    %dma_start3A_244 = arith.constant 0 : i32
    %dma_start3A_245 = tpu.memref_slice %arg3[%dma_start3A_243, %add3A_242, %dma_start3A_244] : memref<13x4096x512xf32, #tpu.memory_space<hbm>> -> memref<1x64x512xf32, #tpu.memory_space<hbm>>
    %dma_start3A_246 = arith.constant 4 : i32
    %dma_start3A_247 = arith.constant 0 : i32
    %dma_start3A_248 = tpu.memref_slice %arg3[%dma_start3A_246, %add3A_242, %dma_start3A_247] : memref<13x4096x512xf32, #tpu.memory_space<hbm>> -> memref<1x64x512xf32, #tpu.memory_space<hbm>>
    tpu.enqueue_dma source(%arg6 : memref<1x64x512xf32, #tpu.memory_space<vmem>>) target(%dma_start3A_248 : memref<1x64x512xf32, #tpu.memory_space<hbm>>) target_semaphore(%arg12 : memref<!tpu.dma_semaphore, #tpu.memory_space<semaphore_mem>>)
    %dma_wait3A_249 = arith.constant 3 : i32
    %dma_wait3A_250 = arith.constant 0 : i32
    %dma_wait3A_251 = tpu.memref_slice %arg3[%dma_wait3A_249, %add3A_214, %dma_wait3A_250] : memref<13x4096x512xf32, #tpu.memory_space<hbm>> -> memref<1x64x512xf32, #tpu.memory_space<hbm>>
    %dma_wait3A_252 = arith.constant 3 : i32
    %dma_wait3A_253 = arith.constant 0 : i32
    %dma_wait3A_254 = tpu.memref_slice %arg3[%dma_wait3A_252, %add3A_214, %dma_wait3A_253] : memref<13x4096x512xf32, #tpu.memory_space<hbm>> -> memref<1x64x512xf32, #tpu.memory_space<hbm>>
    tpu.wait_dma2 semaphore(%arg11 : memref<!tpu.dma_semaphore, #tpu.memory_space<semaphore_mem>>) src(%arg5 : memref<1x64x512xf32, #tpu.memory_space<vmem>>) dst(%dma_wait3A_254 : memref<1x64x512xf32, #tpu.memory_space<hbm>>)
    %add3A_255 = arith.constant 0 : i32
    %add3A_256 = arith.addi %mul3A_2, %add3A_255 : i32
    %dma_start3A_257 = arith.constant 2 : i32
    %dma_start3A_258 = arith.constant 0 : i32
    %dma_start3A_259 = tpu.memref_slice %arg2[%dma_start3A_257, %add3A_256, %dma_start3A_258] : memref<13x4096x512xf32, #tpu.memory_space<hbm>> -> memref<1x64x512xf32, #tpu.memory_space<hbm>>
    %dma_start3A_260 = arith.constant 2 : i32
    %dma_start3A_261 = arith.constant 0 : i32
    %dma_start3A_262 = tpu.memref_slice %arg2[%dma_start3A_260, %add3A_256, %dma_start3A_261] : memref<13x4096x512xf32, #tpu.memory_space<hbm>> -> memref<1x64x512xf32, #tpu.memory_space<hbm>>
    tpu.enqueue_dma source(%dma_start3A_262 : memref<1x64x512xf32, #tpu.memory_space<hbm>>) target(%arg5 : memref<1x64x512xf32, #tpu.memory_space<vmem>>) target_semaphore(%arg8 : memref<!tpu.dma_semaphore, #tpu.memory_space<semaphore_mem>>)
    %dma_wait3A_263 = arith.constant 4 : i32
    %dma_wait3A_264 = arith.constant 0 : i32
    %dma_wait3A_265 = tpu.memref_slice %arg2[%dma_wait3A_263, %add3A_228, %dma_wait3A_264] : memref<13x4096x512xf32, #tpu.memory_space<hbm>> -> memref<1x64x512xf32, #tpu.memory_space<hbm>>
    %dma_wait3A_266 = arith.constant 4 : i32
    %dma_wait3A_267 = arith.constant 0 : i32
    %dma_wait3A_268 = tpu.memref_slice %arg2[%dma_wait3A_266, %add3A_228, %dma_wait3A_267] : memref<13x4096x512xf32, #tpu.memory_space<hbm>> -> memref<1x64x512xf32, #tpu.memory_space<hbm>>
    tpu.wait_dma2 semaphore(%arg7 : memref<!tpu.dma_semaphore, #tpu.memory_space<semaphore_mem>>) src(%dma_wait3A_268 : memref<1x64x512xf32, #tpu.memory_space<hbm>>) dst(%arg4 : memref<1x64x512xf32, #tpu.memory_space<vmem>>)
    %add3A_269 = arith.constant 64 : i32
    %add3A_270 = arith.addi %mul3A_2, %add3A_269 : i32
    %dma_start3A_271 = arith.constant 4 : i32
    %dma_start3A_272 = arith.constant 0 : i32
    %dma_start3A_273 = tpu.memref_slice %arg3[%dma_start3A_271, %add3A_270, %dma_start3A_272] : memref<13x4096x512xf32, #tpu.memory_space<hbm>> -> memref<1x64x512xf32, #tpu.memory_space<hbm>>
    %dma_start3A_274 = arith.constant 4 : i32
    %dma_start3A_275 = arith.constant 0 : i32
    %dma_start3A_276 = tpu.memref_slice %arg3[%dma_start3A_274, %add3A_270, %dma_start3A_275] : memref<13x4096x512xf32, #tpu.memory_space<hbm>> -> memref<1x64x512xf32, #tpu.memory_space<hbm>>
    tpu.enqueue_dma source(%arg4 : memref<1x64x512xf32, #tpu.memory_space<vmem>>) target(%dma_start3A_276 : memref<1x64x512xf32, #tpu.memory_space<hbm>>) target_semaphore(%arg10 : memref<!tpu.dma_semaphore, #tpu.memory_space<semaphore_mem>>)
    %dma_wait3A_277 = arith.constant 4 : i32
    %dma_wait3A_278 = arith.constant 0 : i32
    %dma_wait3A_279 = tpu.memref_slice %arg3[%dma_wait3A_277, %add3A_242, %dma_wait3A_278] : memref<13x4096x512xf32, #tpu.memory_space<hbm>> -> memref<1x64x512xf32, #tpu.memory_space<hbm>>
    %dma_wait3A_280 = arith.constant 4 : i32
    %dma_wait3A_281 = arith.constant 0 : i32
    %dma_wait3A_282 = tpu.memref_slice %arg3[%dma_wait3A_280, %add3A_242, %dma_wait3A_281] : memref<13x4096x512xf32, #tpu.memory_space<hbm>> -> memref<1x64x512xf32, #tpu.memory_space<hbm>>
    tpu.wait_dma2 semaphore(%arg12 : memref<!tpu.dma_semaphore, #tpu.memory_space<semaphore_mem>>) src(%arg6 : memref<1x64x512xf32, #tpu.memory_space<vmem>>) dst(%dma_wait3A_282 : memref<1x64x512xf32, #tpu.memory_space<hbm>>)
    %add3A_283 = arith.constant 64 : i32
    %add3A_284 = arith.addi %mul3A_2, %add3A_283 : i32
    %dma_start3A_285 = arith.constant 2 : i32
    %dma_start3A_286 = arith.constant 0 : i32
    %dma_start3A_287 = tpu.memref_slice %arg2[%dma_start3A_285, %add3A_284, %dma_start3A_286] : memref<13x4096x512xf32, #tpu.memory_space<hbm>> -> memref<1x64x512xf32, #tpu.memory_space<hbm>>
    %dma_start3A_288 = arith.constant 2 : i32
    %dma_start3A_289 = arith.constant 0 : i32
    %dma_start3A_290 = tpu.memref_slice %arg2[%dma_start3A_288, %add3A_284, %dma_start3A_289] : memref<13x4096x512xf32, #tpu.memory_space<hbm>> -> memref<1x64x512xf32, #tpu.memory_space<hbm>>
    tpu.enqueue_dma source(%dma_start3A_290 : memref<1x64x512xf32, #tpu.memory_space<hbm>>) target(%arg6 : memref<1x64x512xf32, #tpu.memory_space<vmem>>) target_semaphore(%arg9 : memref<!tpu.dma_semaphore, #tpu.memory_space<semaphore_mem>>)
    %dma_wait3A_291 = arith.constant 2 : i32
    %dma_wait3A_292 = arith.constant 0 : i32
    %dma_wait3A_293 = tpu.memref_slice %arg2[%dma_wait3A_291, %add3A_256, %dma_wait3A_292] : memref<13x4096x512xf32, #tpu.memory_space<hbm>> -> memref<1x64x512xf32, #tpu.memory_space<hbm>>
    %dma_wait3A_294 = arith.constant 2 : i32
    %dma_wait3A_295 = arith.constant 0 : i32
    %dma_wait3A_296 = tpu.memref_slice %arg2[%dma_wait3A_294, %add3A_256, %dma_wait3A_295] : memref<13x4096x512xf32, #tpu.memory_space<hbm>> -> memref<1x64x512xf32, #tpu.memory_space<hbm>>
    tpu.wait_dma2 semaphore(%arg8 : memref<!tpu.dma_semaphore, #tpu.memory_space<semaphore_mem>>) src(%dma_wait3A_296 : memref<1x64x512xf32, #tpu.memory_space<hbm>>) dst(%arg5 : memref<1x64x512xf32, #tpu.memory_space<vmem>>)
    %add3A_297 = arith.constant 0 : i32
    %add3A_298 = arith.addi %mul3A_2, %add3A_297 : i32
    %dma_start3A_299 = arith.constant 5 : i32
    %dma_start3A_300 = arith.constant 0 : i32
    %dma_start3A_301 = tpu.memref_slice %arg3[%dma_start3A_299, %add3A_298, %dma_start3A_300] : memref<13x4096x512xf32, #tpu.memory_space<hbm>> -> memref<1x64x512xf32, #tpu.memory_space<hbm>>
    %dma_start3A_302 = arith.constant 5 : i32
    %dma_start3A_303 = arith.constant 0 : i32
    %dma_start3A_304 = tpu.memref_slice %arg3[%dma_start3A_302, %add3A_298, %dma_start3A_303] : memref<13x4096x512xf32, #tpu.memory_space<hbm>> -> memref<1x64x512xf32, #tpu.memory_space<hbm>>
    tpu.enqueue_dma source(%arg5 : memref<1x64x512xf32, #tpu.memory_space<vmem>>) target(%dma_start3A_304 : memref<1x64x512xf32, #tpu.memory_space<hbm>>) target_semaphore(%arg11 : memref<!tpu.dma_semaphore, #tpu.memory_space<semaphore_mem>>)
    %dma_wait3A_305 = arith.constant 4 : i32
    %dma_wait3A_306 = arith.constant 0 : i32
    %dma_wait3A_307 = tpu.memref_slice %arg3[%dma_wait3A_305, %add3A_270, %dma_wait3A_306] : memref<13x4096x512xf32, #tpu.memory_space<hbm>> -> memref<1x64x512xf32, #tpu.memory_space<hbm>>
    %dma_wait3A_308 = arith.constant 4 : i32
    %dma_wait3A_309 = arith.constant 0 : i32
    %dma_wait3A_310 = tpu.memref_slice %arg3[%dma_wait3A_308, %add3A_270, %dma_wait3A_309] : memref<13x4096x512xf32, #tpu.memory_space<hbm>> -> memref<1x64x512xf32, #tpu.memory_space<hbm>>
    tpu.wait_dma2 semaphore(%arg10 : memref<!tpu.dma_semaphore, #tpu.memory_space<semaphore_mem>>) src(%arg4 : memref<1x64x512xf32, #tpu.memory_space<vmem>>) dst(%dma_wait3A_310 : memref<1x64x512xf32, #tpu.memory_space<hbm>>)
    %add3A_311 = arith.constant 0 : i32
    %add3A_312 = arith.addi %mul3A_2, %add3A_311 : i32
    %dma_start3A_313 = arith.constant 9 : i32
    %dma_start3A_314 = arith.constant 0 : i32
    %dma_start3A_315 = tpu.memref_slice %arg2[%dma_start3A_313, %add3A_312, %dma_start3A_314] : memref<13x4096x512xf32, #tpu.memory_space<hbm>> -> memref<1x64x512xf32, #tpu.memory_space<hbm>>
    %dma_start3A_316 = arith.constant 9 : i32
    %dma_start3A_317 = arith.constant 0 : i32
    %dma_start3A_318 = tpu.memref_slice %arg2[%dma_start3A_316, %add3A_312, %dma_start3A_317] : memref<13x4096x512xf32, #tpu.memory_space<hbm>> -> memref<1x64x512xf32, #tpu.memory_space<hbm>>
    tpu.enqueue_dma source(%dma_start3A_318 : memref<1x64x512xf32, #tpu.memory_space<hbm>>) target(%arg4 : memref<1x64x512xf32, #tpu.memory_space<vmem>>) target_semaphore(%arg7 : memref<!tpu.dma_semaphore, #tpu.memory_space<semaphore_mem>>)
    %dma_wait3A_319 = arith.constant 2 : i32
    %dma_wait3A_320 = arith.constant 0 : i32
    %dma_wait3A_321 = tpu.memref_slice %arg2[%dma_wait3A_319, %add3A_284, %dma_wait3A_320] : memref<13x4096x512xf32, #tpu.memory_space<hbm>> -> memref<1x64x512xf32, #tpu.memory_space<hbm>>
    %dma_wait3A_322 = arith.constant 2 : i32
    %dma_wait3A_323 = arith.constant 0 : i32
    %dma_wait3A_324 = tpu.memref_slice %arg2[%dma_wait3A_322, %add3A_284, %dma_wait3A_323] : memref<13x4096x512xf32, #tpu.memory_space<hbm>> -> memref<1x64x512xf32, #tpu.memory_space<hbm>>
    tpu.wait_dma2 semaphore(%arg9 : memref<!tpu.dma_semaphore, #tpu.memory_space<semaphore_mem>>) src(%dma_wait3A_324 : memref<1x64x512xf32, #tpu.memory_space<hbm>>) dst(%arg6 : memref<1x64x512xf32, #tpu.memory_space<vmem>>)
    %add3A_325 = arith.constant 64 : i32
    %add3A_326 = arith.addi %mul3A_2, %add3A_325 : i32
    %dma_start3A_327 = arith.constant 5 : i32
    %dma_start3A_328 = arith.constant 0 : i32
    %dma_start3A_329 = tpu.memref_slice %arg3[%dma_start3A_327, %add3A_326, %dma_start3A_328] : memref<13x4096x512xf32, #tpu.memory_space<hbm>> -> memref<1x64x512xf32, #tpu.memory_space<hbm>>
    %dma_start3A_330 = arith.constant 5 : i32
    %dma_start3A_331 = arith.constant 0 : i32
    %dma_start3A_332 = tpu.memref_slice %arg3[%dma_start3A_330, %add3A_326, %dma_start3A_331] : memref<13x4096x512xf32, #tpu.memory_space<hbm>> -> memref<1x64x512xf32, #tpu.memory_space<hbm>>
    tpu.enqueue_dma source(%arg6 : memref<1x64x512xf32, #tpu.memory_space<vmem>>) target(%dma_start3A_332 : memref<1x64x512xf32, #tpu.memory_space<hbm>>) target_semaphore(%arg12 : memref<!tpu.dma_semaphore, #tpu.memory_space<semaphore_mem>>)
    %dma_wait3A_333 = arith.constant 5 : i32
    %dma_wait3A_334 = arith.constant 0 : i32
    %dma_wait3A_335 = tpu.memref_slice %arg3[%dma_wait3A_333, %add3A_298, %dma_wait3A_334] : memref<13x4096x512xf32, #tpu.memory_space<hbm>> -> memref<1x64x512xf32, #tpu.memory_space<hbm>>
    %dma_wait3A_336 = arith.constant 5 : i32
    %dma_wait3A_337 = arith.constant 0 : i32
    %dma_wait3A_338 = tpu.memref_slice %arg3[%dma_wait3A_336, %add3A_298, %dma_wait3A_337] : memref<13x4096x512xf32, #tpu.memory_space<hbm>> -> memref<1x64x512xf32, #tpu.memory_space<hbm>>
    tpu.wait_dma2 semaphore(%arg11 : memref<!tpu.dma_semaphore, #tpu.memory_space<semaphore_mem>>) src(%arg5 : memref<1x64x512xf32, #tpu.memory_space<vmem>>) dst(%dma_wait3A_338 : memref<1x64x512xf32, #tpu.memory_space<hbm>>)
    %add3A_339 = arith.constant 64 : i32
    %add3A_340 = arith.addi %mul3A_2, %add3A_339 : i32
    %dma_start3A_341 = arith.constant 9 : i32
    %dma_start3A_342 = arith.constant 0 : i32
    %dma_start3A_343 = tpu.memref_slice %arg2[%dma_start3A_341, %add3A_340, %dma_start3A_342] : memref<13x4096x512xf32, #tpu.memory_space<hbm>> -> memref<1x64x512xf32, #tpu.memory_space<hbm>>
    %dma_start3A_344 = arith.constant 9 : i32
    %dma_start3A_345 = arith.constant 0 : i32
    %dma_start3A_346 = tpu.memref_slice %arg2[%dma_start3A_344, %add3A_340, %dma_start3A_345] : memref<13x4096x512xf32, #tpu.memory_space<hbm>> -> memref<1x64x512xf32, #tpu.memory_space<hbm>>
    tpu.enqueue_dma source(%dma_start3A_346 : memref<1x64x512xf32, #tpu.memory_space<hbm>>) target(%arg5 : memref<1x64x512xf32, #tpu.memory_space<vmem>>) target_semaphore(%arg8 : memref<!tpu.dma_semaphore, #tpu.memory_space<semaphore_mem>>)
    %dma_wait3A_347 = arith.constant 9 : i32
    %dma_wait3A_348 = arith.constant 0 : i32
    %dma_wait3A_349 = tpu.memref_slice %arg2[%dma_wait3A_347, %add3A_312, %dma_wait3A_348] : memref<13x4096x512xf32, #tpu.memory_space<hbm>> -> memref<1x64x512xf32, #tpu.memory_space<hbm>>
    %dma_wait3A_350 = arith.constant 9 : i32
    %dma_wait3A_351 = arith.constant 0 : i32
    %dma_wait3A_352 = tpu.memref_slice %arg2[%dma_wait3A_350, %add3A_312, %dma_wait3A_351] : memref<13x4096x512xf32, #tpu.memory_space<hbm>> -> memref<1x64x512xf32, #tpu.memory_space<hbm>>
    tpu.wait_dma2 semaphore(%arg7 : memref<!tpu.dma_semaphore, #tpu.memory_space<semaphore_mem>>) src(%dma_wait3A_352 : memref<1x64x512xf32, #tpu.memory_space<hbm>>) dst(%arg4 : memref<1x64x512xf32, #tpu.memory_space<vmem>>)
    %add3A_353 = arith.constant 0 : i32
    %add3A_354 = arith.addi %mul3A_2, %add3A_353 : i32
    %dma_start3A_355 = arith.constant 6 : i32
    %dma_start3A_356 = arith.constant 0 : i32
    %dma_start3A_357 = tpu.memref_slice %arg3[%dma_start3A_355, %add3A_354, %dma_start3A_356] : memref<13x4096x512xf32, #tpu.memory_space<hbm>> -> memref<1x64x512xf32, #tpu.memory_space<hbm>>
    %dma_start3A_358 = arith.constant 6 : i32
    %dma_start3A_359 = arith.constant 0 : i32
    %dma_start3A_360 = tpu.memref_slice %arg3[%dma_start3A_358, %add3A_354, %dma_start3A_359] : memref<13x4096x512xf32, #tpu.memory_space<hbm>> -> memref<1x64x512xf32, #tpu.memory_space<hbm>>
    tpu.enqueue_dma source(%arg4 : memref<1x64x512xf32, #tpu.memory_space<vmem>>) target(%dma_start3A_360 : memref<1x64x512xf32, #tpu.memory_space<hbm>>) target_semaphore(%arg10 : memref<!tpu.dma_semaphore, #tpu.memory_space<semaphore_mem>>)
    %dma_wait3A_361 = arith.constant 5 : i32
    %dma_wait3A_362 = arith.constant 0 : i32
    %dma_wait3A_363 = tpu.memref_slice %arg3[%dma_wait3A_361, %add3A_326, %dma_wait3A_362] : memref<13x4096x512xf32, #tpu.memory_space<hbm>> -> memref<1x64x512xf32, #tpu.memory_space<hbm>>
    %dma_wait3A_364 = arith.constant 5 : i32
    %dma_wait3A_365 = arith.constant 0 : i32
    %dma_wait3A_366 = tpu.memref_slice %arg3[%dma_wait3A_364, %add3A_326, %dma_wait3A_365] : memref<13x4096x512xf32, #tpu.memory_space<hbm>> -> memref<1x64x512xf32, #tpu.memory_space<hbm>>
    tpu.wait_dma2 semaphore(%arg12 : memref<!tpu.dma_semaphore, #tpu.memory_space<semaphore_mem>>) src(%arg6 : memref<1x64x512xf32, #tpu.memory_space<vmem>>) dst(%dma_wait3A_366 : memref<1x64x512xf32, #tpu.memory_space<hbm>>)
    %add3A_367 = arith.constant 0 : i32
    %add3A_368 = arith.addi %mul3A_2, %add3A_367 : i32
    %dma_start3A_369 = arith.constant 6 : i32
    %dma_start3A_370 = arith.constant 0 : i32
    %dma_start3A_371 = tpu.memref_slice %arg2[%dma_start3A_369, %add3A_368, %dma_start3A_370] : memref<13x4096x512xf32, #tpu.memory_space<hbm>> -> memref<1x64x512xf32, #tpu.memory_space<hbm>>
    %dma_start3A_372 = arith.constant 6 : i32
    %dma_start3A_373 = arith.constant 0 : i32
    %dma_start3A_374 = tpu.memref_slice %arg2[%dma_start3A_372, %add3A_368, %dma_start3A_373] : memref<13x4096x512xf32, #tpu.memory_space<hbm>> -> memref<1x64x512xf32, #tpu.memory_space<hbm>>
    tpu.enqueue_dma source(%dma_start3A_374 : memref<1x64x512xf32, #tpu.memory_space<hbm>>) target(%arg6 : memref<1x64x512xf32, #tpu.memory_space<vmem>>) target_semaphore(%arg9 : memref<!tpu.dma_semaphore, #tpu.memory_space<semaphore_mem>>)
    %dma_wait3A_375 = arith.constant 9 : i32
    %dma_wait3A_376 = arith.constant 0 : i32
    %dma_wait3A_377 = tpu.memref_slice %arg2[%dma_wait3A_375, %add3A_340, %dma_wait3A_376] : memref<13x4096x512xf32, #tpu.memory_space<hbm>> -> memref<1x64x512xf32, #tpu.memory_space<hbm>>
    %dma_wait3A_378 = arith.constant 9 : i32
    %dma_wait3A_379 = arith.constant 0 : i32
    %dma_wait3A_380 = tpu.memref_slice %arg2[%dma_wait3A_378, %add3A_340, %dma_wait3A_379] : memref<13x4096x512xf32, #tpu.memory_space<hbm>> -> memref<1x64x512xf32, #tpu.memory_space<hbm>>
    tpu.wait_dma2 semaphore(%arg8 : memref<!tpu.dma_semaphore, #tpu.memory_space<semaphore_mem>>) src(%dma_wait3A_380 : memref<1x64x512xf32, #tpu.memory_space<hbm>>) dst(%arg5 : memref<1x64x512xf32, #tpu.memory_space<vmem>>)
    %add3A_381 = arith.constant 64 : i32
    %add3A_382 = arith.addi %mul3A_2, %add3A_381 : i32
    %dma_start3A_383 = arith.constant 6 : i32
    %dma_start3A_384 = arith.constant 0 : i32
    %dma_start3A_385 = tpu.memref_slice %arg3[%dma_start3A_383, %add3A_382, %dma_start3A_384] : memref<13x4096x512xf32, #tpu.memory_space<hbm>> -> memref<1x64x512xf32, #tpu.memory_space<hbm>>
    %dma_start3A_386 = arith.constant 6 : i32
    %dma_start3A_387 = arith.constant 0 : i32
    %dma_start3A_388 = tpu.memref_slice %arg3[%dma_start3A_386, %add3A_382, %dma_start3A_387] : memref<13x4096x512xf32, #tpu.memory_space<hbm>> -> memref<1x64x512xf32, #tpu.memory_space<hbm>>
    tpu.enqueue_dma source(%arg5 : memref<1x64x512xf32, #tpu.memory_space<vmem>>) target(%dma_start3A_388 : memref<1x64x512xf32, #tpu.memory_space<hbm>>) target_semaphore(%arg11 : memref<!tpu.dma_semaphore, #tpu.memory_space<semaphore_mem>>)
    %dma_wait3A_389 = arith.constant 6 : i32
    %dma_wait3A_390 = arith.constant 0 : i32
    %dma_wait3A_391 = tpu.memref_slice %arg3[%dma_wait3A_389, %add3A_354, %dma_wait3A_390] : memref<13x4096x512xf32, #tpu.memory_space<hbm>> -> memref<1x64x512xf32, #tpu.memory_space<hbm>>
    %dma_wait3A_392 = arith.constant 6 : i32
    %dma_wait3A_393 = arith.constant 0 : i32
    %dma_wait3A_394 = tpu.memref_slice %arg3[%dma_wait3A_392, %add3A_354, %dma_wait3A_393] : memref<13x4096x512xf32, #tpu.memory_space<hbm>> -> memref<1x64x512xf32, #tpu.memory_space<hbm>>
    tpu.wait_dma2 semaphore(%arg10 : memref<!tpu.dma_semaphore, #tpu.memory_space<semaphore_mem>>) src(%arg4 : memref<1x64x512xf32, #tpu.memory_space<vmem>>) dst(%dma_wait3A_394 : memref<1x64x512xf32, #tpu.memory_space<hbm>>)
    %add3A_395 = arith.constant 64 : i32
    %add3A_396 = arith.addi %mul3A_2, %add3A_395 : i32
    %dma_start3A_397 = arith.constant 6 : i32
    %dma_start3A_398 = arith.constant 0 : i32
    %dma_start3A_399 = tpu.memref_slice %arg2[%dma_start3A_397, %add3A_396, %dma_start3A_398] : memref<13x4096x512xf32, #tpu.memory_space<hbm>> -> memref<1x64x512xf32, #tpu.memory_space<hbm>>
    %dma_start3A_400 = arith.constant 6 : i32
    %dma_start3A_401 = arith.constant 0 : i32
    %dma_start3A_402 = tpu.memref_slice %arg2[%dma_start3A_400, %add3A_396, %dma_start3A_401] : memref<13x4096x512xf32, #tpu.memory_space<hbm>> -> memref<1x64x512xf32, #tpu.memory_space<hbm>>
    tpu.enqueue_dma source(%dma_start3A_402 : memref<1x64x512xf32, #tpu.memory_space<hbm>>) target(%arg4 : memref<1x64x512xf32, #tpu.memory_space<vmem>>) target_semaphore(%arg7 : memref<!tpu.dma_semaphore, #tpu.memory_space<semaphore_mem>>)
    %dma_wait3A_403 = arith.constant 6 : i32
    %dma_wait3A_404 = arith.constant 0 : i32
    %dma_wait3A_405 = tpu.memref_slice %arg2[%dma_wait3A_403, %add3A_368, %dma_wait3A_404] : memref<13x4096x512xf32, #tpu.memory_space<hbm>> -> memref<1x64x512xf32, #tpu.memory_space<hbm>>
    %dma_wait3A_406 = arith.constant 6 : i32
    %dma_wait3A_407 = arith.constant 0 : i32
    %dma_wait3A_408 = tpu.memref_slice %arg2[%dma_wait3A_406, %add3A_368, %dma_wait3A_407] : memref<13x4096x512xf32, #tpu.memory_space<hbm>> -> memref<1x64x512xf32, #tpu.memory_space<hbm>>
    tpu.wait_dma2 semaphore(%arg9 : memref<!tpu.dma_semaphore, #tpu.memory_space<semaphore_mem>>) src(%dma_wait3A_408 : memref<1x64x512xf32, #tpu.memory_space<hbm>>) dst(%arg6 : memref<1x64x512xf32, #tpu.memory_space<vmem>>)
    %add3A_409 = arith.constant 0 : i32
    %add3A_410 = arith.addi %mul3A_2, %add3A_409 : i32
    %dma_start3A_411 = arith.constant 7 : i32
    %dma_start3A_412 = arith.constant 0 : i32
    %dma_start3A_413 = tpu.memref_slice %arg3[%dma_start3A_411, %add3A_410, %dma_start3A_412] : memref<13x4096x512xf32, #tpu.memory_space<hbm>> -> memref<1x64x512xf32, #tpu.memory_space<hbm>>
    %dma_start3A_414 = arith.constant 7 : i32
    %dma_start3A_415 = arith.constant 0 : i32
    %dma_start3A_416 = tpu.memref_slice %arg3[%dma_start3A_414, %add3A_410, %dma_start3A_415] : memref<13x4096x512xf32, #tpu.memory_space<hbm>> -> memref<1x64x512xf32, #tpu.memory_space<hbm>>
    tpu.enqueue_dma source(%arg6 : memref<1x64x512xf32, #tpu.memory_space<vmem>>) target(%dma_start3A_416 : memref<1x64x512xf32, #tpu.memory_space<hbm>>) target_semaphore(%arg12 : memref<!tpu.dma_semaphore, #tpu.memory_space<semaphore_mem>>)
    %dma_wait3A_417 = arith.constant 6 : i32
    %dma_wait3A_418 = arith.constant 0 : i32
    %dma_wait3A_419 = tpu.memref_slice %arg3[%dma_wait3A_417, %add3A_382, %dma_wait3A_418] : memref<13x4096x512xf32, #tpu.memory_space<hbm>> -> memref<1x64x512xf32, #tpu.memory_space<hbm>>
    %dma_wait3A_420 = arith.constant 6 : i32
    %dma_wait3A_421 = arith.constant 0 : i32
    %dma_wait3A_422 = tpu.memref_slice %arg3[%dma_wait3A_420, %add3A_382, %dma_wait3A_421] : memref<13x4096x512xf32, #tpu.memory_space<hbm>> -> memref<1x64x512xf32, #tpu.memory_space<hbm>>
    tpu.wait_dma2 semaphore(%arg11 : memref<!tpu.dma_semaphore, #tpu.memory_space<semaphore_mem>>) src(%arg5 : memref<1x64x512xf32, #tpu.memory_space<vmem>>) dst(%dma_wait3A_422 : memref<1x64x512xf32, #tpu.memory_space<hbm>>)
    %add3A_423 = arith.constant 0 : i32
    %add3A_424 = arith.addi %mul3A_2, %add3A_423 : i32
    %dma_start3A_425 = arith.constant 11 : i32
    %dma_start3A_426 = arith.constant 0 : i32
    %dma_start3A_427 = tpu.memref_slice %arg2[%dma_start3A_425, %add3A_424, %dma_start3A_426] : memref<13x4096x512xf32, #tpu.memory_space<hbm>> -> memref<1x64x512xf32, #tpu.memory_space<hbm>>
    %dma_start3A_428 = arith.constant 11 : i32
    %dma_start3A_429 = arith.constant 0 : i32
    %dma_start3A_430 = tpu.memref_slice %arg2[%dma_start3A_428, %add3A_424, %dma_start3A_429] : memref<13x4096x512xf32, #tpu.memory_space<hbm>> -> memref<1x64x512xf32, #tpu.memory_space<hbm>>
    tpu.enqueue_dma source(%dma_start3A_430 : memref<1x64x512xf32, #tpu.memory_space<hbm>>) target(%arg5 : memref<1x64x512xf32, #tpu.memory_space<vmem>>) target_semaphore(%arg8 : memref<!tpu.dma_semaphore, #tpu.memory_space<semaphore_mem>>)
    %dma_wait3A_431 = arith.constant 6 : i32
    %dma_wait3A_432 = arith.constant 0 : i32
    %dma_wait3A_433 = tpu.memref_slice %arg2[%dma_wait3A_431, %add3A_396, %dma_wait3A_432] : memref<13x4096x512xf32, #tpu.memory_space<hbm>> -> memref<1x64x512xf32, #tpu.memory_space<hbm>>
    %dma_wait3A_434 = arith.constant 6 : i32
    %dma_wait3A_435 = arith.constant 0 : i32
    %dma_wait3A_436 = tpu.memref_slice %arg2[%dma_wait3A_434, %add3A_396, %dma_wait3A_435] : memref<13x4096x512xf32, #tpu.memory_space<hbm>> -> memref<1x64x512xf32, #tpu.memory_space<hbm>>
    tpu.wait_dma2 semaphore(%arg7 : memref<!tpu.dma_semaphore, #tpu.memory_space<semaphore_mem>>) src(%dma_wait3A_436 : memref<1x64x512xf32, #tpu.memory_space<hbm>>) dst(%arg4 : memref<1x64x512xf32, #tpu.memory_space<vmem>>)
    %add3A_437 = arith.constant 64 : i32
    %add3A_438 = arith.addi %mul3A_2, %add3A_437 : i32
    %dma_start3A_439 = arith.constant 7 : i32
    %dma_start3A_440 = arith.constant 0 : i32
    %dma_start3A_441 = tpu.memref_slice %arg3[%dma_start3A_439, %add3A_438, %dma_start3A_440] : memref<13x4096x512xf32, #tpu.memory_space<hbm>> -> memref<1x64x512xf32, #tpu.memory_space<hbm>>
    %dma_start3A_442 = arith.constant 7 : i32
    %dma_start3A_443 = arith.constant 0 : i32
    %dma_start3A_444 = tpu.memref_slice %arg3[%dma_start3A_442, %add3A_438, %dma_start3A_443] : memref<13x4096x512xf32, #tpu.memory_space<hbm>> -> memref<1x64x512xf32, #tpu.memory_space<hbm>>
    tpu.enqueue_dma source(%arg4 : memref<1x64x512xf32, #tpu.memory_space<vmem>>) target(%dma_start3A_444 : memref<1x64x512xf32, #tpu.memory_space<hbm>>) target_semaphore(%arg10 : memref<!tpu.dma_semaphore, #tpu.memory_space<semaphore_mem>>)
    %dma_wait3A_445 = arith.constant 7 : i32
    %dma_wait3A_446 = arith.constant 0 : i32
    %dma_wait3A_447 = tpu.memref_slice %arg3[%dma_wait3A_445, %add3A_410, %dma_wait3A_446] : memref<13x4096x512xf32, #tpu.memory_space<hbm>> -> memref<1x64x512xf32, #tpu.memory_space<hbm>>
    %dma_wait3A_448 = arith.constant 7 : i32
    %dma_wait3A_449 = arith.constant 0 : i32
    %dma_wait3A_450 = tpu.memref_slice %arg3[%dma_wait3A_448, %add3A_410, %dma_wait3A_449] : memref<13x4096x512xf32, #tpu.memory_space<hbm>> -> memref<1x64x512xf32, #tpu.memory_space<hbm>>
    tpu.wait_dma2 semaphore(%arg12 : memref<!tpu.dma_semaphore, #tpu.memory_space<semaphore_mem>>) src(%arg6 : memref<1x64x512xf32, #tpu.memory_space<vmem>>) dst(%dma_wait3A_450 : memref<1x64x512xf32, #tpu.memory_space<hbm>>)
    %add3A_451 = arith.constant 64 : i32
    %add3A_452 = arith.addi %mul3A_2, %add3A_451 : i32
    %dma_start3A_453 = arith.constant 11 : i32
    %dma_start3A_454 = arith.constant 0 : i32
    %dma_start3A_455 = tpu.memref_slice %arg2[%dma_start3A_453, %add3A_452, %dma_start3A_454] : memref<13x4096x512xf32, #tpu.memory_space<hbm>> -> memref<1x64x512xf32, #tpu.memory_space<hbm>>
    %dma_start3A_456 = arith.constant 11 : i32
    %dma_start3A_457 = arith.constant 0 : i32
    %dma_start3A_458 = tpu.memref_slice %arg2[%dma_start3A_456, %add3A_452, %dma_start3A_457] : memref<13x4096x512xf32, #tpu.memory_space<hbm>> -> memref<1x64x512xf32, #tpu.memory_space<hbm>>
    tpu.enqueue_dma source(%dma_start3A_458 : memref<1x64x512xf32, #tpu.memory_space<hbm>>) target(%arg6 : memref<1x64x512xf32, #tpu.memory_space<vmem>>) target_semaphore(%arg9 : memref<!tpu.dma_semaphore, #tpu.memory_space<semaphore_mem>>)
    %dma_wait3A_459 = arith.constant 11 : i32
    %dma_wait3A_460 = arith.constant 0 : i32
    %dma_wait3A_461 = tpu.memref_slice %arg2[%dma_wait3A_459, %add3A_424, %dma_wait3A_460] : memref<13x4096x512xf32, #tpu.memory_space<hbm>> -> memref<1x64x512xf32, #tpu.memory_space<hbm>>
    %dma_wait3A_462 = arith.constant 11 : i32
    %dma_wait3A_463 = arith.constant 0 : i32
    %dma_wait3A_464 = tpu.memref_slice %arg2[%dma_wait3A_462, %add3A_424, %dma_wait3A_463] : memref<13x4096x512xf32, #tpu.memory_space<hbm>> -> memref<1x64x512xf32, #tpu.memory_space<hbm>>
    tpu.wait_dma2 semaphore(%arg8 : memref<!tpu.dma_semaphore, #tpu.memory_space<semaphore_mem>>) src(%dma_wait3A_464 : memref<1x64x512xf32, #tpu.memory_space<hbm>>) dst(%arg5 : memref<1x64x512xf32, #tpu.memory_space<vmem>>)
    %add3A_465 = arith.constant 0 : i32
    %add3A_466 = arith.addi %mul3A_2, %add3A_465 : i32
    %dma_start3A_467 = arith.constant 8 : i32
    %dma_start3A_468 = arith.constant 0 : i32
    %dma_start3A_469 = tpu.memref_slice %arg3[%dma_start3A_467, %add3A_466, %dma_start3A_468] : memref<13x4096x512xf32, #tpu.memory_space<hbm>> -> memref<1x64x512xf32, #tpu.memory_space<hbm>>
    %dma_start3A_470 = arith.constant 8 : i32
    %dma_start3A_471 = arith.constant 0 : i32
    %dma_start3A_472 = tpu.memref_slice %arg3[%dma_start3A_470, %add3A_466, %dma_start3A_471] : memref<13x4096x512xf32, #tpu.memory_space<hbm>> -> memref<1x64x512xf32, #tpu.memory_space<hbm>>
    tpu.enqueue_dma source(%arg5 : memref<1x64x512xf32, #tpu.memory_space<vmem>>) target(%dma_start3A_472 : memref<1x64x512xf32, #tpu.memory_space<hbm>>) target_semaphore(%arg11 : memref<!tpu.dma_semaphore, #tpu.memory_space<semaphore_mem>>)
    %dma_wait3A_473 = arith.constant 7 : i32
    %dma_wait3A_474 = arith.constant 0 : i32
    %dma_wait3A_475 = tpu.memref_slice %arg3[%dma_wait3A_473, %add3A_438, %dma_wait3A_474] : memref<13x4096x512xf32, #tpu.memory_space<hbm>> -> memref<1x64x512xf32, #tpu.memory_space<hbm>>
    %dma_wait3A_476 = arith.constant 7 : i32
    %dma_wait3A_477 = arith.constant 0 : i32
    %dma_wait3A_478 = tpu.memref_slice %arg3[%dma_wait3A_476, %add3A_438, %dma_wait3A_477] : memref<13x4096x512xf32, #tpu.memory_space<hbm>> -> memref<1x64x512xf32, #tpu.memory_space<hbm>>
    tpu.wait_dma2 semaphore(%arg10 : memref<!tpu.dma_semaphore, #tpu.memory_space<semaphore_mem>>) src(%arg4 : memref<1x64x512xf32, #tpu.memory_space<vmem>>) dst(%dma_wait3A_478 : memref<1x64x512xf32, #tpu.memory_space<hbm>>)
    %add3A_479 = arith.constant 0 : i32
    %add3A_480 = arith.addi %mul3A_2, %add3A_479 : i32
    %dma_start3A_481 = arith.constant 7 : i32
    %dma_start3A_482 = arith.constant 0 : i32
    %dma_start3A_483 = tpu.memref_slice %arg2[%dma_start3A_481, %add3A_480, %dma_start3A_482] : memref<13x4096x512xf32, #tpu.memory_space<hbm>> -> memref<1x64x512xf32, #tpu.memory_space<hbm>>
    %dma_start3A_484 = arith.constant 7 : i32
    %dma_start3A_485 = arith.constant 0 : i32
    %dma_start3A_486 = tpu.memref_slice %arg2[%dma_start3A_484, %add3A_480, %dma_start3A_485] : memref<13x4096x512xf32, #tpu.memory_space<hbm>> -> memref<1x64x512xf32, #tpu.memory_space<hbm>>
    tpu.enqueue_dma source(%dma_start3A_486 : memref<1x64x512xf32, #tpu.memory_space<hbm>>) target(%arg4 : memref<1x64x512xf32, #tpu.memory_space<vmem>>) target_semaphore(%arg7 : memref<!tpu.dma_semaphore, #tpu.memory_space<semaphore_mem>>)
    %dma_wait3A_487 = arith.constant 11 : i32
    %dma_wait3A_488 = arith.constant 0 : i32
    %dma_wait3A_489 = tpu.memref_slice %arg2[%dma_wait3A_487, %add3A_452, %dma_wait3A_488] : memref<13x4096x512xf32, #tpu.memory_space<hbm>> -> memref<1x64x512xf32, #tpu.memory_space<hbm>>
    %dma_wait3A_490 = arith.constant 11 : i32
    %dma_wait3A_491 = arith.constant 0 : i32
    %dma_wait3A_492 = tpu.memref_slice %arg2[%dma_wait3A_490, %add3A_452, %dma_wait3A_491] : memref<13x4096x512xf32, #tpu.memory_space<hbm>> -> memref<1x64x512xf32, #tpu.memory_space<hbm>>
    tpu.wait_dma2 semaphore(%arg9 : memref<!tpu.dma_semaphore, #tpu.memory_space<semaphore_mem>>) src(%dma_wait3A_492 : memref<1x64x512xf32, #tpu.memory_space<hbm>>) dst(%arg6 : memref<1x64x512xf32, #tpu.memory_space<vmem>>)
    %add3A_493 = arith.constant 64 : i32
    %add3A_494 = arith.addi %mul3A_2, %add3A_493 : i32
    %dma_start3A_495 = arith.constant 8 : i32
    %dma_start3A_496 = arith.constant 0 : i32
    %dma_start3A_497 = tpu.memref_slice %arg3[%dma_start3A_495, %add3A_494, %dma_start3A_496] : memref<13x4096x512xf32, #tpu.memory_space<hbm>> -> memref<1x64x512xf32, #tpu.memory_space<hbm>>
    %dma_start3A_498 = arith.constant 8 : i32
    %dma_start3A_499 = arith.constant 0 : i32
    %dma_start3A_500 = tpu.memref_slice %arg3[%dma_start3A_498, %add3A_494, %dma_start3A_499] : memref<13x4096x512xf32, #tpu.memory_space<hbm>> -> memref<1x64x512xf32, #tpu.memory_space<hbm>>
    tpu.enqueue_dma source(%arg6 : memref<1x64x512xf32, #tpu.memory_space<vmem>>) target(%dma_start3A_500 : memref<1x64x512xf32, #tpu.memory_space<hbm>>) target_semaphore(%arg12 : memref<!tpu.dma_semaphore, #tpu.memory_space<semaphore_mem>>)
    %dma_wait3A_501 = arith.constant 8 : i32
    %dma_wait3A_502 = arith.constant 0 : i32
    %dma_wait3A_503 = tpu.memref_slice %arg3[%dma_wait3A_501, %add3A_466, %dma_wait3A_502] : memref<13x4096x512xf32, #tpu.memory_space<hbm>> -> memref<1x64x512xf32, #tpu.memory_space<hbm>>
    %dma_wait3A_504 = arith.constant 8 : i32
    %dma_wait3A_505 = arith.constant 0 : i32
    %dma_wait3A_506 = tpu.memref_slice %arg3[%dma_wait3A_504, %add3A_466, %dma_wait3A_505] : memref<13x4096x512xf32, #tpu.memory_space<hbm>> -> memref<1x64x512xf32, #tpu.memory_space<hbm>>
    tpu.wait_dma2 semaphore(%arg11 : memref<!tpu.dma_semaphore, #tpu.memory_space<semaphore_mem>>) src(%arg5 : memref<1x64x512xf32, #tpu.memory_space<vmem>>) dst(%dma_wait3A_506 : memref<1x64x512xf32, #tpu.memory_space<hbm>>)
    %add3A_507 = arith.constant 64 : i32
    %add3A_508 = arith.addi %mul3A_2, %add3A_507 : i32
    %dma_start3A_509 = arith.constant 7 : i32
    %dma_start3A_510 = arith.constant 0 : i32
    %dma_start3A_511 = tpu.memref_slice %arg2[%dma_start3A_509, %add3A_508, %dma_start3A_510] : memref<13x4096x512xf32, #tpu.memory_space<hbm>> -> memref<1x64x512xf32, #tpu.memory_space<hbm>>
    %dma_start3A_512 = arith.constant 7 : i32
    %dma_start3A_513 = arith.constant 0 : i32
    %dma_start3A_514 = tpu.memref_slice %arg2[%dma_start3A_512, %add3A_508, %dma_start3A_513] : memref<13x4096x512xf32, #tpu.memory_space<hbm>> -> memref<1x64x512xf32, #tpu.memory_space<hbm>>
    tpu.enqueue_dma source(%dma_start3A_514 : memref<1x64x512xf32, #tpu.memory_space<hbm>>) target(%arg5 : memref<1x64x512xf32, #tpu.memory_space<vmem>>) target_semaphore(%arg8 : memref<!tpu.dma_semaphore, #tpu.memory_space<semaphore_mem>>)
    %dma_wait3A_515 = arith.constant 7 : i32
    %dma_wait3A_516 = arith.constant 0 : i32
    %dma_wait3A_517 = tpu.memref_slice %arg2[%dma_wait3A_515, %add3A_480, %dma_wait3A_516] : memref<13x4096x512xf32, #tpu.memory_space<hbm>> -> memref<1x64x512xf32, #tpu.memory_space<hbm>>
    %dma_wait3A_518 = arith.constant 7 : i32
    %dma_wait3A_519 = arith.constant 0 : i32
    %dma_wait3A_520 = tpu.memref_slice %arg2[%dma_wait3A_518, %add3A_480, %dma_wait3A_519] : memref<13x4096x512xf32, #tpu.memory_space<hbm>> -> memref<1x64x512xf32, #tpu.memory_space<hbm>>
    tpu.wait_dma2 semaphore(%arg7 : memref<!tpu.dma_semaphore, #tpu.memory_space<semaphore_mem>>) src(%dma_wait3A_520 : memref<1x64x512xf32, #tpu.memory_space<hbm>>) dst(%arg4 : memref<1x64x512xf32, #tpu.memory_space<vmem>>)
    %add3A_521 = arith.constant 0 : i32
    %add3A_522 = arith.addi %mul3A_2, %add3A_521 : i32
    %dma_start3A_523 = arith.constant 9 : i32
    %dma_start3A_524 = arith.constant 0 : i32
    %dma_start3A_525 = tpu.memref_slice %arg3[%dma_start3A_523, %add3A_522, %dma_start3A_524] : memref<13x4096x512xf32, #tpu.memory_space<hbm>> -> memref<1x64x512xf32, #tpu.memory_space<hbm>>
    %dma_start3A_526 = arith.constant 9 : i32
    %dma_start3A_527 = arith.constant 0 : i32
    %dma_start3A_528 = tpu.memref_slice %arg3[%dma_start3A_526, %add3A_522, %dma_start3A_527] : memref<13x4096x512xf32, #tpu.memory_space<hbm>> -> memref<1x64x512xf32, #tpu.memory_space<hbm>>
    tpu.enqueue_dma source(%arg4 : memref<1x64x512xf32, #tpu.memory_space<vmem>>) target(%dma_start3A_528 : memref<1x64x512xf32, #tpu.memory_space<hbm>>) target_semaphore(%arg10 : memref<!tpu.dma_semaphore, #tpu.memory_space<semaphore_mem>>)
    %dma_wait3A_529 = arith.constant 8 : i32
    %dma_wait3A_530 = arith.constant 0 : i32
    %dma_wait3A_531 = tpu.memref_slice %arg3[%dma_wait3A_529, %add3A_494, %dma_wait3A_530] : memref<13x4096x512xf32, #tpu.memory_space<hbm>> -> memref<1x64x512xf32, #tpu.memory_space<hbm>>
    %dma_wait3A_532 = arith.constant 8 : i32
    %dma_wait3A_533 = arith.constant 0 : i32
    %dma_wait3A_534 = tpu.memref_slice %arg3[%dma_wait3A_532, %add3A_494, %dma_wait3A_533] : memref<13x4096x512xf32, #tpu.memory_space<hbm>> -> memref<1x64x512xf32, #tpu.memory_space<hbm>>
    tpu.wait_dma2 semaphore(%arg12 : memref<!tpu.dma_semaphore, #tpu.memory_space<semaphore_mem>>) src(%arg6 : memref<1x64x512xf32, #tpu.memory_space<vmem>>) dst(%dma_wait3A_534 : memref<1x64x512xf32, #tpu.memory_space<hbm>>)
    %add3A_535 = arith.constant 0 : i32
    %add3A_536 = arith.addi %mul3A_2, %add3A_535 : i32
    %dma_start3A_537 = arith.constant 10 : i32
    %dma_start3A_538 = arith.constant 0 : i32
    %dma_start3A_539 = tpu.memref_slice %arg2[%dma_start3A_537, %add3A_536, %dma_start3A_538] : memref<13x4096x512xf32, #tpu.memory_space<hbm>> -> memref<1x64x512xf32, #tpu.memory_space<hbm>>
    %dma_start3A_540 = arith.constant 10 : i32
    %dma_start3A_541 = arith.constant 0 : i32
    %dma_start3A_542 = tpu.memref_slice %arg2[%dma_start3A_540, %add3A_536, %dma_start3A_541] : memref<13x4096x512xf32, #tpu.memory_space<hbm>> -> memref<1x64x512xf32, #tpu.memory_space<hbm>>
    tpu.enqueue_dma source(%dma_start3A_542 : memref<1x64x512xf32, #tpu.memory_space<hbm>>) target(%arg6 : memref<1x64x512xf32, #tpu.memory_space<vmem>>) target_semaphore(%arg9 : memref<!tpu.dma_semaphore, #tpu.memory_space<semaphore_mem>>)
    %dma_wait3A_543 = arith.constant 7 : i32
    %dma_wait3A_544 = arith.constant 0 : i32
    %dma_wait3A_545 = tpu.memref_slice %arg2[%dma_wait3A_543, %add3A_508, %dma_wait3A_544] : memref<13x4096x512xf32, #tpu.memory_space<hbm>> -> memref<1x64x512xf32, #tpu.memory_space<hbm>>
    %dma_wait3A_546 = arith.constant 7 : i32
    %dma_wait3A_547 = arith.constant 0 : i32
    %dma_wait3A_548 = tpu.memref_slice %arg2[%dma_wait3A_546, %add3A_508, %dma_wait3A_547] : memref<13x4096x512xf32, #tpu.memory_space<hbm>> -> memref<1x64x512xf32, #tpu.memory_space<hbm>>
    tpu.wait_dma2 semaphore(%arg8 : memref<!tpu.dma_semaphore, #tpu.memory_space<semaphore_mem>>) src(%dma_wait3A_548 : memref<1x64x512xf32, #tpu.memory_space<hbm>>) dst(%arg5 : memref<1x64x512xf32, #tpu.memory_space<vmem>>)
    %add3A_549 = arith.constant 64 : i32
    %add3A_550 = arith.addi %mul3A_2, %add3A_549 : i32
    %dma_start3A_551 = arith.constant 9 : i32
    %dma_start3A_552 = arith.constant 0 : i32
    %dma_start3A_553 = tpu.memref_slice %arg3[%dma_start3A_551, %add3A_550, %dma_start3A_552] : memref<13x4096x512xf32, #tpu.memory_space<hbm>> -> memref<1x64x512xf32, #tpu.memory_space<hbm>>
    %dma_start3A_554 = arith.constant 9 : i32
    %dma_start3A_555 = arith.constant 0 : i32
    %dma_start3A_556 = tpu.memref_slice %arg3[%dma_start3A_554, %add3A_550, %dma_start3A_555] : memref<13x4096x512xf32, #tpu.memory_space<hbm>> -> memref<1x64x512xf32, #tpu.memory_space<hbm>>
    tpu.enqueue_dma source(%arg5 : memref<1x64x512xf32, #tpu.memory_space<vmem>>) target(%dma_start3A_556 : memref<1x64x512xf32, #tpu.memory_space<hbm>>) target_semaphore(%arg11 : memref<!tpu.dma_semaphore, #tpu.memory_space<semaphore_mem>>)
    %dma_wait3A_557 = arith.constant 9 : i32
    %dma_wait3A_558 = arith.constant 0 : i32
    %dma_wait3A_559 = tpu.memref_slice %arg3[%dma_wait3A_557, %add3A_522, %dma_wait3A_558] : memref<13x4096x512xf32, #tpu.memory_space<hbm>> -> memref<1x64x512xf32, #tpu.memory_space<hbm>>
    %dma_wait3A_560 = arith.constant 9 : i32
    %dma_wait3A_561 = arith.constant 0 : i32
    %dma_wait3A_562 = tpu.memref_slice %arg3[%dma_wait3A_560, %add3A_522, %dma_wait3A_561] : memref<13x4096x512xf32, #tpu.memory_space<hbm>> -> memref<1x64x512xf32, #tpu.memory_space<hbm>>
    tpu.wait_dma2 semaphore(%arg10 : memref<!tpu.dma_semaphore, #tpu.memory_space<semaphore_mem>>) src(%arg4 : memref<1x64x512xf32, #tpu.memory_space<vmem>>) dst(%dma_wait3A_562 : memref<1x64x512xf32, #tpu.memory_space<hbm>>)
    %add3A_563 = arith.constant 64 : i32
    %add3A_564 = arith.addi %mul3A_2, %add3A_563 : i32
    %dma_start3A_565 = arith.constant 10 : i32
    %dma_start3A_566 = arith.constant 0 : i32
    %dma_start3A_567 = tpu.memref_slice %arg2[%dma_start3A_565, %add3A_564, %dma_start3A_566] : memref<13x4096x512xf32, #tpu.memory_space<hbm>> -> memref<1x64x512xf32, #tpu.memory_space<hbm>>
    %dma_start3A_568 = arith.constant 10 : i32
    %dma_start3A_569 = arith.constant 0 : i32
    %dma_start3A_570 = tpu.memref_slice %arg2[%dma_start3A_568, %add3A_564, %dma_start3A_569] : memref<13x4096x512xf32, #tpu.memory_space<hbm>> -> memref<1x64x512xf32, #tpu.memory_space<hbm>>
    tpu.enqueue_dma source(%dma_start3A_570 : memref<1x64x512xf32, #tpu.memory_space<hbm>>) target(%arg4 : memref<1x64x512xf32, #tpu.memory_space<vmem>>) target_semaphore(%arg7 : memref<!tpu.dma_semaphore, #tpu.memory_space<semaphore_mem>>)
    %dma_wait3A_571 = arith.constant 10 : i32
    %dma_wait3A_572 = arith.constant 0 : i32
    %dma_wait3A_573 = tpu.memref_slice %arg2[%dma_wait3A_571, %add3A_536, %dma_wait3A_572] : memref<13x4096x512xf32, #tpu.memory_space<hbm>> -> memref<1x64x512xf32, #tpu.memory_space<hbm>>
    %dma_wait3A_574 = arith.constant 10 : i32
    %dma_wait3A_575 = arith.constant 0 : i32
    %dma_wait3A_576 = tpu.memref_slice %arg2[%dma_wait3A_574, %add3A_536, %dma_wait3A_575] : memref<13x4096x512xf32, #tpu.memory_space<hbm>> -> memref<1x64x512xf32, #tpu.memory_space<hbm>>
    tpu.wait_dma2 semaphore(%arg9 : memref<!tpu.dma_semaphore, #tpu.memory_space<semaphore_mem>>) src(%dma_wait3A_576 : memref<1x64x512xf32, #tpu.memory_space<hbm>>) dst(%arg6 : memref<1x64x512xf32, #tpu.memory_space<vmem>>)
    %add3A_577 = arith.constant 0 : i32
    %add3A_578 = arith.addi %mul3A_2, %add3A_577 : i32
    %dma_start3A_579 = arith.constant 10 : i32
    %dma_start3A_580 = arith.constant 0 : i32
    %dma_start3A_581 = tpu.memref_slice %arg3[%dma_start3A_579, %add3A_578, %dma_start3A_580] : memref<13x4096x512xf32, #tpu.memory_space<hbm>> -> memref<1x64x512xf32, #tpu.memory_space<hbm>>
    %dma_start3A_582 = arith.constant 10 : i32
    %dma_start3A_583 = arith.constant 0 : i32
    %dma_start3A_584 = tpu.memref_slice %arg3[%dma_start3A_582, %add3A_578, %dma_start3A_583] : memref<13x4096x512xf32, #tpu.memory_space<hbm>> -> memref<1x64x512xf32, #tpu.memory_space<hbm>>
    tpu.enqueue_dma source(%arg6 : memref<1x64x512xf32, #tpu.memory_space<vmem>>) target(%dma_start3A_584 : memref<1x64x512xf32, #tpu.memory_space<hbm>>) target_semaphore(%arg12 : memref<!tpu.dma_semaphore, #tpu.memory_space<semaphore_mem>>)
    %dma_wait3A_585 = arith.constant 9 : i32
    %dma_wait3A_586 = arith.constant 0 : i32
    %dma_wait3A_587 = tpu.memref_slice %arg3[%dma_wait3A_585, %add3A_550, %dma_wait3A_586] : memref<13x4096x512xf32, #tpu.memory_space<hbm>> -> memref<1x64x512xf32, #tpu.memory_space<hbm>>
    %dma_wait3A_588 = arith.constant 9 : i32
    %dma_wait3A_589 = arith.constant 0 : i32
    %dma_wait3A_590 = tpu.memref_slice %arg3[%dma_wait3A_588, %add3A_550, %dma_wait3A_589] : memref<13x4096x512xf32, #tpu.memory_space<hbm>> -> memref<1x64x512xf32, #tpu.memory_space<hbm>>
    tpu.wait_dma2 semaphore(%arg11 : memref<!tpu.dma_semaphore, #tpu.memory_space<semaphore_mem>>) src(%arg5 : memref<1x64x512xf32, #tpu.memory_space<vmem>>) dst(%dma_wait3A_590 : memref<1x64x512xf32, #tpu.memory_space<hbm>>)
    %add3A_591 = arith.constant 0 : i32
    %add3A_592 = arith.addi %mul3A_2, %add3A_591 : i32
    %dma_start3A_593 = arith.constant 8 : i32
    %dma_start3A_594 = arith.constant 0 : i32
    %dma_start3A_595 = tpu.memref_slice %arg2[%dma_start3A_593, %add3A_592, %dma_start3A_594] : memref<13x4096x512xf32, #tpu.memory_space<hbm>> -> memref<1x64x512xf32, #tpu.memory_space<hbm>>
    %dma_start3A_596 = arith.constant 8 : i32
    %dma_start3A_597 = arith.constant 0 : i32
    %dma_start3A_598 = tpu.memref_slice %arg2[%dma_start3A_596, %add3A_592, %dma_start3A_597] : memref<13x4096x512xf32, #tpu.memory_space<hbm>> -> memref<1x64x512xf32, #tpu.memory_space<hbm>>
    tpu.enqueue_dma source(%dma_start3A_598 : memref<1x64x512xf32, #tpu.memory_space<hbm>>) target(%arg5 : memref<1x64x512xf32, #tpu.memory_space<vmem>>) target_semaphore(%arg8 : memref<!tpu.dma_semaphore, #tpu.memory_space<semaphore_mem>>)
    %dma_wait3A_599 = arith.constant 10 : i32
    %dma_wait3A_600 = arith.constant 0 : i32
    %dma_wait3A_601 = tpu.memref_slice %arg2[%dma_wait3A_599, %add3A_564, %dma_wait3A_600] : memref<13x4096x512xf32, #tpu.memory_space<hbm>> -> memref<1x64x512xf32, #tpu.memory_space<hbm>>
    %dma_wait3A_602 = arith.constant 10 : i32
    %dma_wait3A_603 = arith.constant 0 : i32
    %dma_wait3A_604 = tpu.memref_slice %arg2[%dma_wait3A_602, %add3A_564, %dma_wait3A_603] : memref<13x4096x512xf32, #tpu.memory_space<hbm>> -> memref<1x64x512xf32, #tpu.memory_space<hbm>>
    tpu.wait_dma2 semaphore(%arg7 : memref<!tpu.dma_semaphore, #tpu.memory_space<semaphore_mem>>) src(%dma_wait3A_604 : memref<1x64x512xf32, #tpu.memory_space<hbm>>) dst(%arg4 : memref<1x64x512xf32, #tpu.memory_space<vmem>>)
    %add3A_605 = arith.constant 64 : i32
    %add3A_606 = arith.addi %mul3A_2, %add3A_605 : i32
    %dma_start3A_607 = arith.constant 10 : i32
    %dma_start3A_608 = arith.constant 0 : i32
    %dma_start3A_609 = tpu.memref_slice %arg3[%dma_start3A_607, %add3A_606, %dma_start3A_608] : memref<13x4096x512xf32, #tpu.memory_space<hbm>> -> memref<1x64x512xf32, #tpu.memory_space<hbm>>
    %dma_start3A_610 = arith.constant 10 : i32
    %dma_start3A_611 = arith.constant 0 : i32
    %dma_start3A_612 = tpu.memref_slice %arg3[%dma_start3A_610, %add3A_606, %dma_start3A_611] : memref<13x4096x512xf32, #tpu.memory_space<hbm>> -> memref<1x64x512xf32, #tpu.memory_space<hbm>>
    tpu.enqueue_dma source(%arg4 : memref<1x64x512xf32, #tpu.memory_space<vmem>>) target(%dma_start3A_612 : memref<1x64x512xf32, #tpu.memory_space<hbm>>) target_semaphore(%arg10 : memref<!tpu.dma_semaphore, #tpu.memory_space<semaphore_mem>>)
    %dma_wait3A_613 = arith.constant 10 : i32
    %dma_wait3A_614 = arith.constant 0 : i32
    %dma_wait3A_615 = tpu.memref_slice %arg3[%dma_wait3A_613, %add3A_578, %dma_wait3A_614] : memref<13x4096x512xf32, #tpu.memory_space<hbm>> -> memref<1x64x512xf32, #tpu.memory_space<hbm>>
    %dma_wait3A_616 = arith.constant 10 : i32
    %dma_wait3A_617 = arith.constant 0 : i32
    %dma_wait3A_618 = tpu.memref_slice %arg3[%dma_wait3A_616, %add3A_578, %dma_wait3A_617] : memref<13x4096x512xf32, #tpu.memory_space<hbm>> -> memref<1x64x512xf32, #tpu.memory_space<hbm>>
    tpu.wait_dma2 semaphore(%arg12 : memref<!tpu.dma_semaphore, #tpu.memory_space<semaphore_mem>>) src(%arg6 : memref<1x64x512xf32, #tpu.memory_space<vmem>>) dst(%dma_wait3A_618 : memref<1x64x512xf32, #tpu.memory_space<hbm>>)
    %add3A_619 = arith.constant 64 : i32
    %add3A_620 = arith.addi %mul3A_2, %add3A_619 : i32
    %dma_start3A_621 = arith.constant 8 : i32
    %dma_start3A_622 = arith.constant 0 : i32
    %dma_start3A_623 = tpu.memref_slice %arg2[%dma_start3A_621, %add3A_620, %dma_start3A_622] : memref<13x4096x512xf32, #tpu.memory_space<hbm>> -> memref<1x64x512xf32, #tpu.memory_space<hbm>>
    %dma_start3A_624 = arith.constant 8 : i32
    %dma_start3A_625 = arith.constant 0 : i32
    %dma_start3A_626 = tpu.memref_slice %arg2[%dma_start3A_624, %add3A_620, %dma_start3A_625] : memref<13x4096x512xf32, #tpu.memory_space<hbm>> -> memref<1x64x512xf32, #tpu.memory_space<hbm>>
    tpu.enqueue_dma source(%dma_start3A_626 : memref<1x64x512xf32, #tpu.memory_space<hbm>>) target(%arg6 : memref<1x64x512xf32, #tpu.memory_space<vmem>>) target_semaphore(%arg9 : memref<!tpu.dma_semaphore, #tpu.memory_space<semaphore_mem>>)
    %dma_wait3A_627 = arith.constant 8 : i32
    %dma_wait3A_628 = arith.constant 0 : i32
    %dma_wait3A_629 = tpu.memref_slice %arg2[%dma_wait3A_627, %add3A_592, %dma_wait3A_628] : memref<13x4096x512xf32, #tpu.memory_space<hbm>> -> memref<1x64x512xf32, #tpu.memory_space<hbm>>
    %dma_wait3A_630 = arith.constant 8 : i32
    %dma_wait3A_631 = arith.constant 0 : i32
    %dma_wait3A_632 = tpu.memref_slice %arg2[%dma_wait3A_630, %add3A_592, %dma_wait3A_631] : memref<13x4096x512xf32, #tpu.memory_space<hbm>> -> memref<1x64x512xf32, #tpu.memory_space<hbm>>
    tpu.wait_dma2 semaphore(%arg8 : memref<!tpu.dma_semaphore, #tpu.memory_space<semaphore_mem>>) src(%dma_wait3A_632 : memref<1x64x512xf32, #tpu.memory_space<hbm>>) dst(%arg5 : memref<1x64x512xf32, #tpu.memory_space<vmem>>)
    %add3A_633 = arith.constant 0 : i32
    %add3A_634 = arith.addi %mul3A_2, %add3A_633 : i32
    %dma_start3A_635 = arith.constant 11 : i32
    %dma_start3A_636 = arith.constant 0 : i32
    %dma_start3A_637 = tpu.memref_slice %arg3[%dma_start3A_635, %add3A_634, %dma_start3A_636] : memref<13x4096x512xf32, #tpu.memory_space<hbm>> -> memref<1x64x512xf32, #tpu.memory_space<hbm>>
    %dma_start3A_638 = arith.constant 11 : i32
    %dma_start3A_639 = arith.constant 0 : i32
    %dma_start3A_640 = tpu.memref_slice %arg3[%dma_start3A_638, %add3A_634, %dma_start3A_639] : memref<13x4096x512xf32, #tpu.memory_space<hbm>> -> memref<1x64x512xf32, #tpu.memory_space<hbm>>
    tpu.enqueue_dma source(%arg5 : memref<1x64x512xf32, #tpu.memory_space<vmem>>) target(%dma_start3A_640 : memref<1x64x512xf32, #tpu.memory_space<hbm>>) target_semaphore(%arg11 : memref<!tpu.dma_semaphore, #tpu.memory_space<semaphore_mem>>)
    %dma_wait3A_641 = arith.constant 10 : i32
    %dma_wait3A_642 = arith.constant 0 : i32
    %dma_wait3A_643 = tpu.memref_slice %arg3[%dma_wait3A_641, %add3A_606, %dma_wait3A_642] : memref<13x4096x512xf32, #tpu.memory_space<hbm>> -> memref<1x64x512xf32, #tpu.memory_space<hbm>>
    %dma_wait3A_644 = arith.constant 10 : i32
    %dma_wait3A_645 = arith.constant 0 : i32
    %dma_wait3A_646 = tpu.memref_slice %arg3[%dma_wait3A_644, %add3A_606, %dma_wait3A_645] : memref<13x4096x512xf32, #tpu.memory_space<hbm>> -> memref<1x64x512xf32, #tpu.memory_space<hbm>>
    tpu.wait_dma2 semaphore(%arg10 : memref<!tpu.dma_semaphore, #tpu.memory_space<semaphore_mem>>) src(%arg4 : memref<1x64x512xf32, #tpu.memory_space<vmem>>) dst(%dma_wait3A_646 : memref<1x64x512xf32, #tpu.memory_space<hbm>>)
    %add3A_647 = arith.constant 0 : i32
    %add3A_648 = arith.addi %mul3A_2, %add3A_647 : i32
    %dma_start3A_649 = arith.constant 12 : i32
    %dma_start3A_650 = arith.constant 0 : i32
    %dma_start3A_651 = tpu.memref_slice %arg2[%dma_start3A_649, %add3A_648, %dma_start3A_650] : memref<13x4096x512xf32, #tpu.memory_space<hbm>> -> memref<1x64x512xf32, #tpu.memory_space<hbm>>
    %dma_start3A_652 = arith.constant 12 : i32
    %dma_start3A_653 = arith.constant 0 : i32
    %dma_start3A_654 = tpu.memref_slice %arg2[%dma_start3A_652, %add3A_648, %dma_start3A_653] : memref<13x4096x512xf32, #tpu.memory_space<hbm>> -> memref<1x64x512xf32, #tpu.memory_space<hbm>>
    tpu.enqueue_dma source(%dma_start3A_654 : memref<1x64x512xf32, #tpu.memory_space<hbm>>) target(%arg4 : memref<1x64x512xf32, #tpu.memory_space<vmem>>) target_semaphore(%arg7 : memref<!tpu.dma_semaphore, #tpu.memory_space<semaphore_mem>>)
    %dma_wait3A_655 = arith.constant 8 : i32
    %dma_wait3A_656 = arith.constant 0 : i32
    %dma_wait3A_657 = tpu.memref_slice %arg2[%dma_wait3A_655, %add3A_620, %dma_wait3A_656] : memref<13x4096x512xf32, #tpu.memory_space<hbm>> -> memref<1x64x512xf32, #tpu.memory_space<hbm>>
    %dma_wait3A_658 = arith.constant 8 : i32
    %dma_wait3A_659 = arith.constant 0 : i32
    %dma_wait3A_660 = tpu.memref_slice %arg2[%dma_wait3A_658, %add3A_620, %dma_wait3A_659] : memref<13x4096x512xf32, #tpu.memory_space<hbm>> -> memref<1x64x512xf32, #tpu.memory_space<hbm>>
    tpu.wait_dma2 semaphore(%arg9 : memref<!tpu.dma_semaphore, #tpu.memory_space<semaphore_mem>>) src(%dma_wait3A_660 : memref<1x64x512xf32, #tpu.memory_space<hbm>>) dst(%arg6 : memref<1x64x512xf32, #tpu.memory_space<vmem>>)
    %add3A_661 = arith.constant 64 : i32
    %add3A_662 = arith.addi %mul3A_2, %add3A_661 : i32
    %dma_start3A_663 = arith.constant 11 : i32
    %dma_start3A_664 = arith.constant 0 : i32
    %dma_start3A_665 = tpu.memref_slice %arg3[%dma_start3A_663, %add3A_662, %dma_start3A_664] : memref<13x4096x512xf32, #tpu.memory_space<hbm>> -> memref<1x64x512xf32, #tpu.memory_space<hbm>>
    %dma_start3A_666 = arith.constant 11 : i32
    %dma_start3A_667 = arith.constant 0 : i32
    %dma_start3A_668 = tpu.memref_slice %arg3[%dma_start3A_666, %add3A_662, %dma_start3A_667] : memref<13x4096x512xf32, #tpu.memory_space<hbm>> -> memref<1x64x512xf32, #tpu.memory_space<hbm>>
    tpu.enqueue_dma source(%arg6 : memref<1x64x512xf32, #tpu.memory_space<vmem>>) target(%dma_start3A_668 : memref<1x64x512xf32, #tpu.memory_space<hbm>>) target_semaphore(%arg12 : memref<!tpu.dma_semaphore, #tpu.memory_space<semaphore_mem>>)
    %dma_wait3A_669 = arith.constant 11 : i32
    %dma_wait3A_670 = arith.constant 0 : i32
    %dma_wait3A_671 = tpu.memref_slice %arg3[%dma_wait3A_669, %add3A_634, %dma_wait3A_670] : memref<13x4096x512xf32, #tpu.memory_space<hbm>> -> memref<1x64x512xf32, #tpu.memory_space<hbm>>
    %dma_wait3A_672 = arith.constant 11 : i32
    %dma_wait3A_673 = arith.constant 0 : i32
    %dma_wait3A_674 = tpu.memref_slice %arg3[%dma_wait3A_672, %add3A_634, %dma_wait3A_673] : memref<13x4096x512xf32, #tpu.memory_space<hbm>> -> memref<1x64x512xf32, #tpu.memory_space<hbm>>
    tpu.wait_dma2 semaphore(%arg11 : memref<!tpu.dma_semaphore, #tpu.memory_space<semaphore_mem>>) src(%arg5 : memref<1x64x512xf32, #tpu.memory_space<vmem>>) dst(%dma_wait3A_674 : memref<1x64x512xf32, #tpu.memory_space<hbm>>)
    %add3A_675 = arith.constant 64 : i32
    %add3A_676 = arith.addi %mul3A_2, %add3A_675 : i32
    %dma_start3A_677 = arith.constant 12 : i32
    %dma_start3A_678 = arith.constant 0 : i32
    %dma_start3A_679 = tpu.memref_slice %arg2[%dma_start3A_677, %add3A_676, %dma_start3A_678] : memref<13x4096x512xf32, #tpu.memory_space<hbm>> -> memref<1x64x512xf32, #tpu.memory_space<hbm>>
    %dma_start3A_680 = arith.constant 12 : i32
    %dma_start3A_681 = arith.constant 0 : i32
    %dma_start3A_682 = tpu.memref_slice %arg2[%dma_start3A_680, %add3A_676, %dma_start3A_681] : memref<13x4096x512xf32, #tpu.memory_space<hbm>> -> memref<1x64x512xf32, #tpu.memory_space<hbm>>
    tpu.enqueue_dma source(%dma_start3A_682 : memref<1x64x512xf32, #tpu.memory_space<hbm>>) target(%arg5 : memref<1x64x512xf32, #tpu.memory_space<vmem>>) target_semaphore(%arg8 : memref<!tpu.dma_semaphore, #tpu.memory_space<semaphore_mem>>)
    %dma_wait3A_683 = arith.constant 12 : i32
    %dma_wait3A_684 = arith.constant 0 : i32
    %dma_wait3A_685 = tpu.memref_slice %arg2[%dma_wait3A_683, %add3A_648, %dma_wait3A_684] : memref<13x4096x512xf32, #tpu.memory_space<hbm>> -> memref<1x64x512xf32, #tpu.memory_space<hbm>>
    %dma_wait3A_686 = arith.constant 12 : i32
    %dma_wait3A_687 = arith.constant 0 : i32
    %dma_wait3A_688 = tpu.memref_slice %arg2[%dma_wait3A_686, %add3A_648, %dma_wait3A_687] : memref<13x4096x512xf32, #tpu.memory_space<hbm>> -> memref<1x64x512xf32, #tpu.memory_space<hbm>>
    tpu.wait_dma2 semaphore(%arg7 : memref<!tpu.dma_semaphore, #tpu.memory_space<semaphore_mem>>) src(%dma_wait3A_688 : memref<1x64x512xf32, #tpu.memory_space<hbm>>) dst(%arg4 : memref<1x64x512xf32, #tpu.memory_space<vmem>>)
    %add3A_689 = arith.constant 0 : i32
    %add3A_690 = arith.addi %mul3A_2, %add3A_689 : i32
    %dma_start3A_691 = arith.constant 12 : i32
    %dma_start3A_692 = arith.constant 0 : i32
    %dma_start3A_693 = tpu.memref_slice %arg3[%dma_start3A_691, %add3A_690, %dma_start3A_692] : memref<13x4096x512xf32, #tpu.memory_space<hbm>> -> memref<1x64x512xf32, #tpu.memory_space<hbm>>
    %dma_start3A_694 = arith.constant 12 : i32
    %dma_start3A_695 = arith.constant 0 : i32
    %dma_start3A_696 = tpu.memref_slice %arg3[%dma_start3A_694, %add3A_690, %dma_start3A_695] : memref<13x4096x512xf32, #tpu.memory_space<hbm>> -> memref<1x64x512xf32, #tpu.memory_space<hbm>>
    tpu.enqueue_dma source(%arg4 : memref<1x64x512xf32, #tpu.memory_space<vmem>>) target(%dma_start3A_696 : memref<1x64x512xf32, #tpu.memory_space<hbm>>) target_semaphore(%arg10 : memref<!tpu.dma_semaphore, #tpu.memory_space<semaphore_mem>>)
    %dma_wait3A_697 = arith.constant 12 : i32
    %dma_wait3A_698 = arith.constant 0 : i32
    %dma_wait3A_699 = tpu.memref_slice %arg2[%dma_wait3A_697, %add3A_676, %dma_wait3A_698] : memref<13x4096x512xf32, #tpu.memory_space<hbm>> -> memref<1x64x512xf32, #tpu.memory_space<hbm>>
    %dma_wait3A_700 = arith.constant 12 : i32
    %dma_wait3A_701 = arith.constant 0 : i32
    %dma_wait3A_702 = tpu.memref_slice %arg2[%dma_wait3A_700, %add3A_676, %dma_wait3A_701] : memref<13x4096x512xf32, #tpu.memory_space<hbm>> -> memref<1x64x512xf32, #tpu.memory_space<hbm>>
    tpu.wait_dma2 semaphore(%arg8 : memref<!tpu.dma_semaphore, #tpu.memory_space<semaphore_mem>>) src(%dma_wait3A_702 : memref<1x64x512xf32, #tpu.memory_space<hbm>>) dst(%arg5 : memref<1x64x512xf32, #tpu.memory_space<vmem>>)
    %add3A_703 = arith.constant 64 : i32
    %add3A_704 = arith.addi %mul3A_2, %add3A_703 : i32
    %dma_start3A_705 = arith.constant 12 : i32
    %dma_start3A_706 = arith.constant 0 : i32
    %dma_start3A_707 = tpu.memref_slice %arg3[%dma_start3A_705, %add3A_704, %dma_start3A_706] : memref<13x4096x512xf32, #tpu.memory_space<hbm>> -> memref<1x64x512xf32, #tpu.memory_space<hbm>>
    %dma_start3A_708 = arith.constant 12 : i32
    %dma_start3A_709 = arith.constant 0 : i32
    %dma_start3A_710 = tpu.memref_slice %arg3[%dma_start3A_708, %add3A_704, %dma_start3A_709] : memref<13x4096x512xf32, #tpu.memory_space<hbm>> -> memref<1x64x512xf32, #tpu.memory_space<hbm>>
    tpu.enqueue_dma source(%arg5 : memref<1x64x512xf32, #tpu.memory_space<vmem>>) target(%dma_start3A_710 : memref<1x64x512xf32, #tpu.memory_space<hbm>>) target_semaphore(%arg11 : memref<!tpu.dma_semaphore, #tpu.memory_space<semaphore_mem>>)
    %dma_wait3A_711 = arith.constant 11 : i32
    %dma_wait3A_712 = arith.constant 0 : i32
    %dma_wait3A_713 = tpu.memref_slice %arg3[%dma_wait3A_711, %add3A_662, %dma_wait3A_712] : memref<13x4096x512xf32, #tpu.memory_space<hbm>> -> memref<1x64x512xf32, #tpu.memory_space<hbm>>
    %dma_wait3A_714 = arith.constant 11 : i32
    %dma_wait3A_715 = arith.constant 0 : i32
    %dma_wait3A_716 = tpu.memref_slice %arg3[%dma_wait3A_714, %add3A_662, %dma_wait3A_715] : memref<13x4096x512xf32, #tpu.memory_space<hbm>> -> memref<1x64x512xf32, #tpu.memory_space<hbm>>
    tpu.wait_dma2 semaphore(%arg12 : memref<!tpu.dma_semaphore, #tpu.memory_space<semaphore_mem>>) src(%arg6 : memref<1x64x512xf32, #tpu.memory_space<vmem>>) dst(%dma_wait3A_716 : memref<1x64x512xf32, #tpu.memory_space<hbm>>)
    %dma_wait3A_717 = arith.constant 12 : i32
    %dma_wait3A_718 = arith.constant 0 : i32
    %dma_wait3A_719 = tpu.memref_slice %arg3[%dma_wait3A_717, %add3A_690, %dma_wait3A_718] : memref<13x4096x512xf32, #tpu.memory_space<hbm>> -> memref<1x64x512xf32, #tpu.memory_space<hbm>>
    %dma_wait3A_720 = arith.constant 12 : i32
    %dma_wait3A_721 = arith.constant 0 : i32
    %dma_wait3A_722 = tpu.memref_slice %arg3[%dma_wait3A_720, %add3A_690, %dma_wait3A_721] : memref<13x4096x512xf32, #tpu.memory_space<hbm>> -> memref<1x64x512xf32, #tpu.memory_space<hbm>>
    tpu.wait_dma2 semaphore(%arg10 : memref<!tpu.dma_semaphore, #tpu.memory_space<semaphore_mem>>) src(%arg4 : memref<1x64x512xf32, #tpu.memory_space<vmem>>) dst(%dma_wait3A_722 : memref<1x64x512xf32, #tpu.memory_space<hbm>>)
    %dma_wait3A_723 = arith.constant 12 : i32
    %dma_wait3A_724 = arith.constant 0 : i32
    %dma_wait3A_725 = tpu.memref_slice %arg3[%dma_wait3A_723, %add3A_704, %dma_wait3A_724] : memref<13x4096x512xf32, #tpu.memory_space<hbm>> -> memref<1x64x512xf32, #tpu.memory_space<hbm>>
    %dma_wait3A_726 = arith.constant 12 : i32
    %dma_wait3A_727 = arith.constant 0 : i32
    %dma_wait3A_728 = tpu.memref_slice %arg3[%dma_wait3A_726, %add3A_704, %dma_wait3A_727] : memref<13x4096x512xf32, #tpu.memory_space<hbm>> -> memref<1x64x512xf32, #tpu.memory_space<hbm>>
    tpu.wait_dma2 semaphore(%arg11 : memref<!tpu.dma_semaphore, #tpu.memory_space<semaphore_mem>>) src(%arg5 : memref<1x64x512xf32, #tpu.memory_space<vmem>>) dst(%dma_wait3A_728 : memref<1x64x512xf32, #tpu.memory_space<hbm>>)
    return
  }
}

</mosaic_0001>

<sc_bundles>
// kernel: kernel.3.cloned.1.call-start
scs
__scs_entry_jumppad:
0x0: {  	(pc) =	sbr.rel $0x88, $3  }
0x1: {  	(tag) =	ssettag $0x0;
	lr =	simm.s32 $0x1  }
0x2: {  	[smem:$0x3FA0] =	sst lr;
	_ =	strace $0xD0000000  }
0x3: {  	_ = 	snop  }
0x4: {  	_ = 	snop  }
0x5: {  	_ = 	snop  }
0x6: {  	_ = 	snop  }
0x7: {  	_ = 	snop  }
__scs_overlays_trampoline_lowered:
0x8: {  	[smem:$0x3FAF] =	sst s0  }
0x9: {  	[smem:$0x3FB0] =	sst s1  }
0xa: {  	[smem:$0x3FB1] =	sst s2  }
0xb: {  	[smem:$0x3FB2] =	sst s3  }
0xc: {  	[smem:$0x3FB3] =	sst s4  }
0xd: {  	[smem:$0x3FB4] =	sst s5  }
0xe: {  	[smem:$0x3FB5] =	sst s6  }
0xf: {  	[smem:$0x3FB6] =	sst s7  }
0x10: {  	[smem:$0x3FB7] =	sst s8  }
0x11: {  	[smem:$0x3FB8] =	sst s9;
	s0 =	simm.s32 @!p0 $0x0  }
0x12: {  	s1 =	sld [smem:$0x3F9E];
	s0 =	simm.s32 @p0 $0x1  }
0x13: {  	[smem:$0x3FB9] =	sst s0;
	s0 =	simm.s32 @!p1 $0x0  }
0x14: {  	s2 =	sld [smem:$0x3F9D];
	s0 =	simm.s32 @p1 $0x1  }
0x15: {  	[smem:$0x3FBA] =	sst s0;
	s0 =	simm.s32 @!p2 $0x0  }
0x16: {  	s3 =	sld [smem:$0x3FDB];
	s0 =	simm.s32 @p2 $0x1  }
0x17: {  	s4 =	simm.s32 $0x1BF5;
	[smem:$0x3FBC] =	sst s0  }
0x18: {  	s0 =	sld [smem:$0x3F9F];
	_ =	swait.ge [sflag:s4], $0x0  }
0x19: {  	s7 =	sld [smem:$0x3FA0]  }
0x1a: {  	s8 =	sadd.s32 $0xFFFFE003, lr  }
0x1b: {  	s9 =	sadd.s32 $0xFFFFFEF7, lr;
	s5 =	simm.s32 $0xFFFFFFFF;
	p2 =	slt.u32 s8, $0xFFFFF086  }
0x1c: {  	p1 =	slt.u32 s9, $0xF7A;
	s5 =	simm.s32 @!p2 $0x0  }
0x1d: {  	s5 =	simm.s32 @p1 $0x1;
	p0 =	seq.s32 s7, s2  }
0x1e: {  	s7 =	smul.u32 @!p0 $0xF7A, s2;
	p2 =	seq.s32 @!p0 s5, $0x0  }
0x1f: {  	s9 =	smul.u32 $0xF7A, s1;
	s8 =	simm.s32 @!p0 $0x1BF5;
	p2 =	por !p2, p0  }
0x20: {  	[sflag:s8] =	ssyncset.s32 @!p0 $0xFFFFF086;
	s6 =	sadd.s32 @!p0 s3, s7;
	s7 =	simm.s32 @!p0 $0x108  }
0x21: {  	s3 =	sadd.s32 s3, s9;
	s6 =	sadd.s32 @!p0 $0x88, s6;
	s7 =	simm.s32 @p2 $0x1082  }
0x22: {  	[simem:s7], [sflag:s8] =	dma.local @!p0 [hbm:s6], $0xF7A  }
0x23: {  	s9 =	sor.u32 $0xD0000000, s2;
	s6 =	simm.s32 $0x108;
	_ =	swait.ge @!p0 [sflag:s8], $0x0  }
0x24: {  	s3 =	sadd.s32 $0x88, s3;
	s6 =	simm.s32 @!p1 $0x1082;
	[sflag:s4] =	ssyncset.s32 $0xFFFFF086  }
0x25: {  	[simem:s6], [sflag:s4] =	dma.local [hbm:s3], $0xF7A  }
0x26: {  	[smem:$0x3FA0] =	sst s1;
	(tag) =	ssettag s2;
	_ =	strace s9  }
0x27: {  	s1 =	sld [smem:$0x3FB0]  }
0x28: {  	s2 =	sld [smem:$0x3FB1]  }
0x29: {  	s4 =	sld [smem:$0x3FB3]  }
0x2a: {  	p0 =	seq.s32 s5, $0x0;
	s5 =	sld [smem:$0x3FB4]  }
0x2b: {  	s6 =	sld [smem:$0x3FB5]  }
0x2c: {  	s7 =	sld [smem:$0x3FB6]  }
0x2d: {  	s3 =	simm.s32 $0x108;
	s8 =	sld [smem:$0x3FB7]  }
0x2e: {  	s3 =	simm.s32 @!p0 $0x1082;
	s9 =	sld [smem:$0x3FB8]  }
0x2f: {  	lr =	sadd.s32 s0, s3;
	s0 =	sld [smem:$0x3FAF]  }
0x30: {  	s3 =	sld [smem:$0x3FB2]  }
0x31: {  	[smem:$0x3FBB] =	sst s10  }
0x32: {  	s10 =	sld [smem:$0x3FB9];
	_ =	sdelay $0x3  }
0x33: {  	p0 =	seq.s32 s10, $0x1;
	s10 =	sld [smem:$0x3FBB];
	_ =	sdelay $0x3  }
0x34: {  	[smem:$0x3FBB] =	sst s10  }
0x35: {  	s10 =	sld [smem:$0x3FBA];
	_ =	sdelay $0x3  }
0x36: {  	p1 =	seq.s32 s10, $0x1;
	s10 =	sld [smem:$0x3FBB];
	_ =	sdelay $0x3  }
0x37: {  	[smem:$0x3FBB] =	sst s10  }
0x38: {  	s10 =	sld [smem:$0x3FBC]  }
0x39: {  	_ = 	snop;
	(pc) =	sbr.ind lr, $3  }
0x3a: {  	_ = 	snop  }
0x3b: {  	_ = 	snop  }
0x3c: {  	p2 =	seq.s32 s10, $0x1;
	s10 =	sld [smem:$0x3FBB]  }
0x3d: {  	_ =	shalt  }
0x3e: {  	_ =	shalt  }
0x3f: {  	_ =	shalt  }
0x40: {  	_ =	shalt  }
0x41: {  	_ =	shalt  }
0x42: {  	_ =	shalt  }
0x43: {  	_ =	shalt  }
0x44: {  	_ =	shalt  }
0x45: {  	_ =	shalt  }
0x46: {  	_ =	shalt  }
0x47: {  	_ =	shalt  }
0x48: {  	_ =	shalt  }
0x49: {  	_ =	shalt  }
0x4a: {  	_ =	shalt  }
0x4b: {  	_ =	shalt  }
0x4c: {  	_ =	shalt  }
0x4d: {  	_ =	shalt  }
0x4e: {  	_ =	shalt  }
0x4f: {  	_ =	shalt  }
0x50: {  	_ =	shalt  }
0x51: {  	_ =	shalt  }
0x52: {  	_ =	shalt  }
0x53: {  	_ =	shalt  }
0x54: {  	_ =	shalt  }
0x55: {  	_ =	shalt  }
0x56: {  	_ =	shalt  }
0x57: {  	_ =	shalt  }
0x58: {  	_ =	shalt  }
0x59: {  	_ =	shalt  }
0x5a: {  	_ =	shalt  }
0x5b: {  	_ =	shalt  }
0x5c: {  	_ =	shalt  }
0x5d: {  	_ =	shalt  }
0x5e: {  	_ =	shalt  }
0x5f: {  	_ =	shalt  }
0x60: {  	_ =	shalt  }
0x61: {  	_ =	shalt  }
0x62: {  	_ =	shalt  }
0x63: {  	_ =	shalt  }
0x64: {  	_ =	shalt  }
0x65: {  	_ =	shalt  }
0x66: {  	_ =	shalt  }
0x67: {  	_ =	shalt  }
0x68: {  	_ =	shalt  }
0x69: {  	_ =	shalt  }
0x6a: {  	_ =	shalt  }
0x6b: {  	_ =	shalt  }
0x6c: {  	_ =	shalt  }
0x6d: {  	_ =	shalt  }
0x6e: {  	_ =	shalt  }
0x6f: {  	_ =	shalt  }
0x70: {  	_ =	shalt  }
0x71: {  	_ =	shalt  }
0x72: {  	_ =	shalt  }
0x73: {  	_ =	shalt  }
0x74: {  	_ =	shalt  }
0x75: {  	_ =	shalt  }
0x76: {  	_ =	shalt  }
0x77: {  	_ =	shalt  }
0x78: {  	_ =	shalt  }
0x79: {  	_ =	shalt  }
0x7a: {  	_ =	shalt  }
0x7b: {  	_ =	shalt  }
0x7c: {  	_ =	shalt  }
0x7d: {  	_ =	shalt  }
0x7e: {  	_ =	shalt  }
0x7f: {  	_ =	shalt  }
0x80: {  	_ =	shalt  }
0x81: {  	_ =	shalt  }
0x82: {  	_ =	shalt  }
0x83: {  	_ =	shalt  }
0x84: {  	_ =	shalt  }
0x85: {  	_ =	shalt  }
0x86: {  	_ =	shalt  }
0x87: {  	_ =	shalt  }
.Lfunc_end0:
.L_simem_size_0:
called_computation_lowered:
.L_overlay_start_0:
0x88: {  	s2 =	sld [smem:$0x3FD9]  }
0x89: {  	s3 =	sld [smem:$0x3FFE];
	_ =	sdelay $0x1  }
0x8a: {  	s1 =	srdreg.scid  }
0x8b: {  	s0 =	sand.u32 $0x1, s1  }
0x8c: {  	s18 =	sshll.u32 s0, $0xA;
	s2 =	sadd.s32 s3, s2  }
0x8d: {  	s2 =	sadd.s32 s2, s18  }
0x8e: {  	[smem:$0x3FC7] =	sst s2  }
0x8f: {  	_ = 	snop  }
0x90: {  	s2 =	sld [smem:$0x3FC9]  }
0x91: {  	s19 =	sld [smem:$0x3FD0];
	(tm) =	ssettm $0x1  }
0x92: {  	s4 =	sld [smem:$0x3FFB];
	_ =	sdelay $0x3  }
0x93: {  	_ =	strace s4  }
0x94: {  	s4 =	sld [smem:$0x3FFC];
	_ =	sdelay $0x3  }
0x95: {  	_ =	strace s4  }
0x96: {  	s4 =	sld [smem:$0x3FFD];
	_ =	sdelay $0x3  }
0x97: {  	_ =	strace s4  }
0x98: {  	_ =	strace $0x8FFFFFFF  }
0x99: {  	s20 =	sld [smem:$0x3FDB];
	_ =	sdelay $0x1  }
0x9a: {  	s5 =	simm.s32 $_scs_section_size  }
0x9b: {  	s6 =	simm.s32 $_size__tile_overlayer_lowered;
	s7 =	simm.s32 $_tile_overlayer_lowered  }
0x9c: {  	s23 =	simm.s32 $0x1BFF;
	s22 =	sshll.u32 s7, $0x1;
	s4 =	sadd.s32 s5, s20  }
0x9d: {  	s8 =	simm.s32 $0x0;
	s21 =	sshll.u32 s6, $0x1;
	s6 =	sadd.s32 s22, s4  }
0x9e: {  	[timem:s8], [sflag:s23] =	dma.local [hbm:s6], s21  }
0x9f: {  	_ =	swait.ge [sflag:s23], s21  }
0xa0: {  	s5 =	ssub.s32 $0x0, s21;
	[sflag:s23] =	ssyncset.done $0x0  }
0xa1: {  	[sflag:s23] =	ssyncadd.s32 s5;
	_ =	sdelay $0x1  }
0xa2: {  	s24 =	simm.s32 $0x1B8B  }
0xa3: {  	_ =	swait.ge [sflag:s24], $0x1  }
0xa4: {  	[sflag:s24] =	ssyncset.done $0x0  }
0xa5: {  	s25 =	simm.s32 $0x1B8E;
	[sflag:s24] =	ssyncadd.s32 $0xFFFFFFFF  }
0xa6: {  	s26 =	simm.s32 $execute0_lowered;
	[smem:$0x3FD2] =	sst s25  }
0xa7: {  	s5 =	sshll.u32 s26, $0x1;
	_ =	strace $0x80000046;
	[dreg:$0x1] =	wrdreg $0xFFFFFFFF  }
0xa8: {  	s28 =	simm.s32 $_size_execute0_lowered;
	s4 =	sadd.s32 s4, s5;
	[dreg:$0x0] =	wrdreg $0x0  }
0xa9: {  	s5 =	sshll.u32 s28, $0x1;
	[dreg:$0x2] =	wrdreg s4  }
0xaa: {  	[dreg:$0x3] =	wrdreg s5  }
0xab: {  	[dreg:$0x4] =	wrdreg $0xC0  }
0xac: {  	_ =	task [dreg:s8], $0x5FFFF  }
0xad: {  	[dreg:$0x1] =	wrdreg $0xFFFFFFFF  }
0xae: {  	[dreg:$0x0] =	wrdreg $0x60  }
0xaf: {  	[dreg:$0x2] =	wrdreg s2  }
0xb0: {  	[dreg:$0x3] =	wrdreg s19  }
0xb1: {  	[dreg:$0x4] =	wrdreg $0x9  }
0xb2: {  	_ =	task.clear_ibuf [dreg:s8], $0x5FFFF;
	_ =	strace $0x90000046  }
0xb3: {  	s29 =	simm.s32 $0x9;
	_ =	strace $0x80000048  }
0xb4: {  	_ =	swait.ge [sflag:s29], $0x1  }
0xb5: {  	[sflag:s29] =	ssyncadd.s32 $0xFFFFFFFF  }
0xb6: {  	_ =	strace $0x90000048  }
0xb7: {  	_ =	sfence  }
0xb8: {  	s30 =	sld [smem:$0x0];
	_ =	sdelay $0x2  }
0xb9: {  	s31 =	sshll.u32 s1, $0xD;
	s1 =	sshrl.u32 s1, $0x2  }
0xba: {  	s3 =	sand.u32 $0x4000, s31;
	s1 =	sadd.s32 s1, s30  }
0xbb: {  	s0 =	sor.u32 s3, s0;
	s1 =	sshll.u32 s1, $0x11  }
0xbc: {  	s0 =	sor.u32 s1, s0  }
0xbd: {  	s0 =	sadd.s32 $0x8F2B, s0  }
0xbe: {  	[sflag:s0] =	ssyncadd.remote.s32 $0x1  }
0xbf: {  	_ =	sfence.sel $0xFFFF  }
0xc0: {  	[dreg:$0x0] =	wrdreg $0xFFFFFFFF;
	(pc) =	sbr.abs _section_cstart, $3  }
0xc1: {  	[dreg:$0x1] =	wrdreg $0xFFFFFFFF  }
0xc2: {  	_ =	task.clear_ibuf [dreg:s8], $0x2FFFF;
	_ =	strace $0x9FFFFFFF  }
0xc3: {  	(tm) =	ssettm $0x7FFFFFFF  }
tec
execute0_lowered:
.L_overlay_start_1:
0x0: {  	(tag) =	ssettag $0x1  }
0x1: {  	s0 =	srdreg.scid  }
0x2: {  	s2 =	stileid.u32;
	s3 =	rddreg [dreg:$0x1];
	s5 =	sand.u32 $0x1, s0  }
0x3: {  	s16 =	sshll.u32 s2, $0xE;
	s2 =	simm.s32 $0x0;
	s4 =	sshll.u32 s5, $0xD  }
0x4: {  	[smem:$0x7FF] =	sst s2;
	s4 =	sor.u32 s4, s16  }
0x5: {  	s1 =	rddreg [dreg:$0x0];
	_ =	strace $0x80000047;
	s18 =	sadd.s32 s3, s4  }
0x6: {  	s0 =	sor.u32 $0xC0000, s4;
	s19 =	sadd.s32 s1, s4;
	[dreg:$0x5] =	wrdreg s18  }
0x7: {  	s7 =	sor.u32 $0xC1000, s4;
	s6 =	sadd.s32 s1, s0;
	[dreg:$0x6] =	wrdreg s19  }
0x8: {  	s8 =	sor.u32 $0x1000, s4;
	s17 =	sadd.s32 s1, s7;
	[dreg:$0x3] =	wrdreg s6  }
0x9: {  	s20 =	sadd.s32 s3, s8;
	[dreg:$0x4] =	wrdreg s17  }
0xa: {  	s22 =	sor.u32 $0x40000, s4;
	s21 =	sadd.s32 s1, s8;
	[dreg:$0x7] =	wrdreg s20  }
0xb: {  	s9 =	sor.u32 $0x140000, s4;
	s23 =	sadd.s32 s3, s22;
	[dreg:$0x8] =	wrdreg s21  }
0xc: {  	s10 =	sor.u32 $0x41000, s4;
	s24 =	sadd.s32 s1, s9;
	[dreg:$0x9] =	wrdreg s23  }
0xd: {  	s11 =	sor.u32 $0x141000, s4;
	s25 =	sadd.s32 s3, s10;
	[dreg:$0xa] =	wrdreg s24  }
0xe: {  	s12 =	sor.u32 $0x80000, s4;
	s26 =	sadd.s32 s1, s11;
	[dreg:$0xb] =	wrdreg s25  }
0xf: {  	s13 =	sadd.s32 s3, s12;
	[dreg:$0xc] =	wrdreg s26  }
0x10: {  	s15 =	sor.u32 $0x81000, s4;
	s14 =	sadd.s32 s1, s22;
	[dreg:$0xd] =	wrdreg s13  }
0x11: {  	s16 =	sadd.s32 s3, s15;
	[dreg:$0xe] =	wrdreg s14  }
0x12: {  	s0 =	sadd.s32 s3, s0;
	[dreg:$0xf] =	wrdreg s16  }
0x13: {  	s18 =	sor.u32 $0x100000, s4;
	s17 =	sadd.s32 s1, s10;
	[dreg:$0x11] =	wrdreg s0  }
0x14: {  	s19 =	sadd.s32 s1, s18;
	[dreg:$0x10] =	wrdreg s17  }
0x15: {  	s20 =	sadd.s32 s3, s7;
	[dreg:$0x12] =	wrdreg s19  }
0x16: {  	s23 =	sadd.s32 s3, s18;
	[dreg:$0x13] =	wrdreg s20  }
0x17: {  	p0 =	por $0x0, $0x0;
	s24 =	sadd.s32 s1, s12;
	[dreg:$0x15] =	wrdreg s23  }
0x18: {  	s5 =	ssub.s32 $0x2, s5;
	s26 =	sadd.s32 s1, s15;
	[dreg:$0x16] =	wrdreg s24  }
0x19: {  	s21 =	sor.u32 $0x101000, s4;
	s6 =	sadd.s32 s3, s9;
	[dreg:$0x18] =	wrdreg s26  }
0x1a: {  	s7 =	sor.u32 $0x240000, s4;
	s10 =	sor.u32 $0x180000, s4;
	[dreg:$0x19] =	wrdreg s6  }
0x1b: {  	s13 =	sor.u32 $0x181000, s4;
	s22 =	sadd.s32 s1, s21;
	s0 =	rddreg [dreg:$0x3]  }
0x1c: {  	s14 =	sshrl.u32 s5, $0x1;
	s25 =	sadd.s32 s3, s21;
	[dreg:$0x14] =	wrdreg s22  }
0x1d: {  	s20 =	sadd.s32 s1, s7;
	s21 =	sadd.s32 s3, s11;
	[dreg:$0x17] =	wrdreg s25  }
0x1e: {  	s11 =	sadd.s32 s3, s10;
	s12 =	sadd.s32 s1, s10;
	[dreg:$0x1a] =	wrdreg s20  }
0x1f: {  	s15 =	sadd.s32 s3, s13;
	s16 =	sadd.s32 s1, s13;
	[dreg:$0x1b] =	wrdreg s21  }
0x20: {  	s17 =	sor.u32 $0x1C0000, s4;
	s19 =	sor.u32 $0x2C0000, s4;
	[dreg:$0x1d] =	wrdreg s11  }
0x21: {  	s5 =	ssub.s32 s5, s14;
	s13 =	sor.u32 $0x200000, s4;
	[dreg:$0x1e] =	wrdreg s12  }
0x22: {  	s14 =	sor.u32 $0x201000, s4;
	s24 =	sadd.s32 s3, s7;
	[dreg:$0x1f] =	wrdreg s15  }
0x23: {  	s7 =	simm.s32 $0x4;
	s22 =	sor.u32 $0x241000, s4;
	[smem:$0x7FB] =	sst s16  }
0x24: {  	s18 =	sadd.s32 s3, s17;
	s11 =	sor.u32 $0x1C1000, s4;
	s12 =	sor.u32 $0x2C1000, s4  }
0x25: {  	s29 =	sadd.s32 s3, s13;
	s28 =	sadd.s32 s1, s17;
	s26 =	sadd.s32 s3, s14  }
0x26: {  	s15 =	sor.u32 $0x280000, s4;
	s16 =	sor.u32 $0x281000, s4;
	s17 =	sor.u32 $0x300000, s4  }
0x27: {  	s4 =	sor.u32 $0x301000, s4;
	s9 =	sadd.s32 s1, s22;
	[smem:$0x7FC] =	sst s18  }
0x28: {  	s31 =	sadd.s32 s3, s11;
	s30 =	sadd.s32 s1, s12;
	s25 =	sadd.s32 s1, s11  }
0x29: {  	s23 =	sadd.s32 s1, s15;
	s22 =	sadd.s32 s3, s22;
	s21 =	sadd.s32 s1, s16  }
0x2a: {  	s20 =	sadd.s32 s3, s15;
	s15 =	sadd.s32 s1, s14;
	s14 =	sadd.s32 s3, s19  }
0x2b: {  	[dreg:$0x1c] =	wrdreg s9;
	s9 =	sadd.s32 s1, s19;
	s19 =	smax.u32 s5, $0x1  }
0x2c: {  	s18 =	sadd.s32 s1, s13;
	s16 =	sadd.s32 s3, s16;
	p1 =	sne.s32 s19, $0x1  }
.Ltmp0:
0x2d: {  	s13 =	sadd.s32 s1, s17;
	s10 =	sadd.s32 s3, s12;
	(pc) =	sbr.rel @!p1 .LBB2_3-.Ltmp0, $4  }
0x2e: {  	s8 =	sadd.s32 s1, s4;
	s6 =	sadd.s32 s3, s17;
	s3 =	sadd.s32 s3, s4  }
0x2f: {  	s4 =	simm.s32 $0x8000;
	s17 =	simm.s32 $0x10000;
	s11 =	simm.s32 $0x2  }
0x30: {  	s12 =	simm.s32 $0x6;
	s5 =	simm.s32 $0x5;
	[smem:$0x7FD] =	sst s9  }
0x31: {  	s9 =	simm.s32 $0x1;
	s1 =	sadd.s32 $0xFFFFFFFF, s19;
	s19 =	simm.s32 $0x3  }
0x32: {  	[smem:$0x7FA] =	sst s1  }
0x33: {  	[tilespmem:s2], [sflag:$0x1] =	stream.linear.gather [hbm4b:s0+s2], $0x8000, $0x38;
	[tilespmem:$0x18000] =	vst v63  }
0x34: {  	s1 =	rddreg [dreg:$0x4]  }
0x35: {  	[tilespmem:s4], [sflag:$0x2] =	stream.linear.gather [hbm4b:s1+s2], $0x8000, $0x38;
	[tilespmem:$0x18000] =	vst v63  }
0x36: {  	_ =	swait.ge [sflag:s9], $0x8000  }
0x37: {  	[sflag:s9] =	ssyncset.done $0x0  }
0x38: {  	s0 =	rddreg [dreg:$0x5];
	[sflag:s9] =	ssyncadd.s32 $0xFFFF8000  }
0x39: {  	[hbm4b:s0+s2] =	stream.linear.scatter [tilespmem:s2], [sflag:$0x4], $0x8000, $0x38;
	[tilespmem:$0x18000] =	vst v63  }
0x3a: {  	s1 =	rddreg [dreg:$0x6]  }
0x3b: {  	[tilespmem:s17], [sflag:$0x3] =	stream.linear.gather [hbm4b:s1+s2], $0x8000, $0x38;
	[tilespmem:$0x18000] =	vst v63  }
0x3c: {  	_ =	swait.ge [sflag:s11], $0x8000  }
0x3d: {  	[sflag:s11] =	ssyncset.done $0x0  }
0x3e: {  	s1 =	rddreg [dreg:$0x7];
	[sflag:s11] =	ssyncadd.s32 $0xFFFF8000  }
0x3f: {  	[hbm4b:s1+s2] =	stream.linear.scatter [tilespmem:s4], [sflag:$0x5], $0x8000, $0x38;
	[tilespmem:$0x18000] =	vst v63  }
0x40: {  	_ =	swait.ge [sflag:s7], $0x8000  }
0x41: {  	[sflag:s7] =	ssyncset.done $0x0  }
0x42: {  	s1 =	rddreg [dreg:$0x8];
	[sflag:s7] =	ssyncadd.s32 $0xFFFF8000  }
0x43: {  	[tilespmem:s2], [sflag:$0x1] =	stream.linear.gather [hbm4b:s1+s2], $0x8000, $0x38;
	[tilespmem:$0x18000] =	vst v63  }
0x44: {  	_ =	swait.ge [sflag:s19], $0x8000  }
0x45: {  	[sflag:s19] =	ssyncset.done $0x0  }
0x46: {  	s1 =	rddreg [dreg:$0x9];
	[sflag:s19] =	ssyncadd.s32 $0xFFFF8000  }
0x47: {  	[hbm4b:s1+s2] =	stream.linear.scatter [tilespmem:s17], [sflag:$0x6], $0x8000, $0x38;
	[tilespmem:$0x18000] =	vst v63  }
0x48: {  	_ =	swait.ge [sflag:s5], $0x8000  }
0x49: {  	[sflag:s5] =	ssyncset.done $0x0  }
0x4a: {  	s1 =	rddreg [dreg:$0xa];
	[sflag:s5] =	ssyncadd.s32 $0xFFFF8000  }
0x4b: {  	[tilespmem:s4], [sflag:$0x2] =	stream.linear.gather [hbm4b:s1+s2], $0x8000, $0x38;
	[tilespmem:$0x18000] =	vst v63  }
0x4c: {  	_ =	swait.ge [sflag:s9], $0x8000  }
0x4d: {  	[sflag:s9] =	ssyncset.done $0x0  }
0x4e: {  	s1 =	rddreg [dreg:$0xb];
	[sflag:s9] =	ssyncadd.s32 $0xFFFF8000  }
0x4f: {  	[hbm4b:s1+s2] =	stream.linear.scatter [tilespmem:s2], [sflag:$0x4], $0x8000, $0x38;
	[tilespmem:$0x18000] =	vst v63  }
0x50: {  	_ =	swait.ge [sflag:s12], $0x8000  }
0x51: {  	[sflag:s12] =	ssyncset.done $0x0  }
0x52: {  	s1 =	rddreg [dreg:$0xc];
	[sflag:s12] =	ssyncadd.s32 $0xFFFF8000  }
0x53: {  	[tilespmem:s17], [sflag:$0x3] =	stream.linear.gather [hbm4b:s1+s2], $0x8000, $0x38;
	[tilespmem:$0x18000] =	vst v63  }
0x54: {  	_ =	swait.ge [sflag:s11], $0x8000  }
0x55: {  	[sflag:s11] =	ssyncset.done $0x0  }
0x56: {  	s1 =	rddreg [dreg:$0xd];
	[sflag:s11] =	ssyncadd.s32 $0xFFFF8000  }
0x57: {  	[hbm4b:s1+s2] =	stream.linear.scatter [tilespmem:s4], [sflag:$0x5], $0x8000, $0x38;
	[tilespmem:$0x18000] =	vst v63  }
0x58: {  	_ =	swait.ge [sflag:s7], $0x8000  }
0x59: {  	[sflag:s7] =	ssyncset.done $0x0  }
0x5a: {  	s1 =	rddreg [dreg:$0xe];
	[sflag:s7] =	ssyncadd.s32 $0xFFFF8000  }
0x5b: {  	[tilespmem:s2], [sflag:$0x1] =	stream.linear.gather [hbm4b:s1+s2], $0x8000, $0x38;
	[tilespmem:$0x18000] =	vst v63  }
0x5c: {  	_ =	swait.ge [sflag:s19], $0x8000  }
0x5d: {  	[sflag:s19] =	ssyncset.done $0x0  }
0x5e: {  	s1 =	rddreg [dreg:$0xf];
	[sflag:s19] =	ssyncadd.s32 $0xFFFF8000  }
0x5f: {  	[hbm4b:s1+s2] =	stream.linear.scatter [tilespmem:s17], [sflag:$0x6], $0x8000, $0x38;
	[tilespmem:$0x18000] =	vst v63  }
0x60: {  	_ =	swait.ge [sflag:s5], $0x8000  }
0x61: {  	[sflag:s5] =	ssyncset.done $0x0  }
0x62: {  	s1 =	rddreg [dreg:$0x10];
	[sflag:s5] =	ssyncadd.s32 $0xFFFF8000  }
0x63: {  	[tilespmem:s4], [sflag:$0x2] =	stream.linear.gather [hbm4b:s1+s2], $0x8000, $0x38;
	[tilespmem:$0x18000] =	vst v63  }
0x64: {  	_ =	swait.ge [sflag:s9], $0x8000  }
0x65: {  	[sflag:s9] =	ssyncset.done $0x0  }
0x66: {  	s1 =	rddreg [dreg:$0x11];
	[sflag:s9] =	ssyncadd.s32 $0xFFFF8000  }
0x67: {  	[hbm4b:s1+s2] =	stream.linear.scatter [tilespmem:s2], [sflag:$0x4], $0x8000, $0x38;
	[tilespmem:$0x18000] =	vst v63  }
0x68: {  	_ =	swait.ge [sflag:s12], $0x8000  }
0x69: {  	[sflag:s12] =	ssyncset.done $0x0  }
0x6a: {  	s1 =	rddreg [dreg:$0x12];
	[sflag:s12] =	ssyncadd.s32 $0xFFFF8000  }
0x6b: {  	[tilespmem:s17], [sflag:$0x3] =	stream.linear.gather [hbm4b:s1+s2], $0x8000, $0x38;
	[tilespmem:$0x18000] =	vst v63  }
0x6c: {  	_ =	swait.ge [sflag:s11], $0x8000  }
0x6d: {  	[sflag:s11] =	ssyncset.done $0x0  }
0x6e: {  	s1 =	rddreg [dreg:$0x13];
	[sflag:s11] =	ssyncadd.s32 $0xFFFF8000  }
0x6f: {  	[hbm4b:s1+s2] =	stream.linear.scatter [tilespmem:s4], [sflag:$0x5], $0x8000, $0x38;
	[tilespmem:$0x18000] =	vst v63  }
0x70: {  	_ =	swait.ge [sflag:s7], $0x8000  }
0x71: {  	[sflag:s7] =	ssyncset.done $0x0  }
0x72: {  	s1 =	rddreg [dreg:$0x14];
	[sflag:s7] =	ssyncadd.s32 $0xFFFF8000  }
0x73: {  	[tilespmem:s2], [sflag:$0x1] =	stream.linear.gather [hbm4b:s1+s2], $0x8000, $0x38;
	[tilespmem:$0x18000] =	vst v63  }
0x74: {  	_ =	swait.ge [sflag:s19], $0x8000  }
0x75: {  	[sflag:s19] =	ssyncset.done $0x0  }
0x76: {  	s1 =	rddreg [dreg:$0x15];
	[sflag:s19] =	ssyncadd.s32 $0xFFFF8000  }
0x77: {  	[hbm4b:s1+s2] =	stream.linear.scatter [tilespmem:s17], [sflag:$0x6], $0x8000, $0x38;
	[tilespmem:$0x18000] =	vst v63  }
0x78: {  	_ =	swait.ge [sflag:s5], $0x8000  }
0x79: {  	[sflag:s5] =	ssyncset.done $0x0  }
0x7a: {  	s1 =	rddreg [dreg:$0x16];
	[sflag:s5] =	ssyncadd.s32 $0xFFFF8000  }
0x7b: {  	[tilespmem:s4], [sflag:$0x2] =	stream.linear.gather [hbm4b:s1+s2], $0x8000, $0x38;
	[tilespmem:$0x18000] =	vst v63  }
0x7c: {  	_ =	swait.ge [sflag:s9], $0x8000  }
0x7d: {  	[sflag:s9] =	ssyncset.done $0x0  }
0x7e: {  	s1 =	rddreg [dreg:$0x17];
	[sflag:s9] =	ssyncadd.s32 $0xFFFF8000  }
0x7f: {  	[hbm4b:s1+s2] =	stream.linear.scatter [tilespmem:s2], [sflag:$0x4], $0x8000, $0x38;
	[tilespmem:$0x18000] =	vst v63  }
0x80: {  	_ =	swait.ge [sflag:s12], $0x8000  }
0x81: {  	[sflag:s12] =	ssyncset.done $0x0  }
0x82: {  	s1 =	rddreg [dreg:$0x18];
	[sflag:s12] =	ssyncadd.s32 $0xFFFF8000  }
0x83: {  	[tilespmem:s17], [sflag:$0x3] =	stream.linear.gather [hbm4b:s1+s2], $0x8000, $0x38;
	[tilespmem:$0x18000] =	vst v63  }
0x84: {  	_ =	swait.ge [sflag:s11], $0x8000  }
0x85: {  	[sflag:s11] =	ssyncset.done $0x0  }
0x86: {  	s1 =	rddreg [dreg:$0x19];
	[sflag:s11] =	ssyncadd.s32 $0xFFFF8000  }
0x87: {  	[hbm4b:s1+s2] =	stream.linear.scatter [tilespmem:s4], [sflag:$0x5], $0x8000, $0x38;
	[tilespmem:$0x18000] =	vst v63  }
0x88: {  	_ =	swait.ge [sflag:s7], $0x8000  }
0x89: {  	[sflag:s7] =	ssyncset.done $0x0  }
0x8a: {  	s1 =	rddreg [dreg:$0x1a];
	[sflag:s7] =	ssyncadd.s32 $0xFFFF8000  }
0x8b: {  	[tilespmem:s2], [sflag:$0x1] =	stream.linear.gather [hbm4b:s1+s2], $0x8000, $0x38;
	[tilespmem:$0x18000] =	vst v63  }
0x8c: {  	_ =	swait.ge [sflag:s19], $0x8000  }
0x8d: {  	[sflag:s19] =	ssyncset.done $0x0  }
0x8e: {  	s1 =	rddreg [dreg:$0x1b];
	[sflag:s19] =	ssyncadd.s32 $0xFFFF8000  }
0x8f: {  	[hbm4b:s1+s2] =	stream.linear.scatter [tilespmem:s17], [sflag:$0x6], $0x8000, $0x38;
	[tilespmem:$0x18000] =	vst v63  }
0x90: {  	_ =	swait.ge [sflag:s5], $0x8000  }
0x91: {  	[sflag:s5] =	ssyncset.done $0x0  }
0x92: {  	s1 =	rddreg [dreg:$0x1c];
	[sflag:s5] =	ssyncadd.s32 $0xFFFF8000  }
0x93: {  	[tilespmem:s4], [sflag:$0x2] =	stream.linear.gather [hbm4b:s1+s2], $0x8000, $0x38;
	[tilespmem:$0x18000] =	vst v63  }
0x94: {  	_ =	swait.ge [sflag:s9], $0x8000  }
0x95: {  	[sflag:s9] =	ssyncset.done $0x0  }
0x96: {  	s1 =	rddreg [dreg:$0x1d];
	[sflag:s9] =	ssyncadd.s32 $0xFFFF8000  }
0x97: {  	[hbm4b:s1+s2] =	stream.linear.scatter [tilespmem:s2], [sflag:$0x4], $0x8000, $0x38;
	[tilespmem:$0x18000] =	vst v63  }
0x98: {  	_ =	swait.ge [sflag:s12], $0x8000  }
0x99: {  	[sflag:s12] =	ssyncset.done $0x0  }
0x9a: {  	s1 =	rddreg [dreg:$0x1e];
	[sflag:s12] =	ssyncadd.s32 $0xFFFF8000  }
0x9b: {  	[tilespmem:s17], [sflag:$0x3] =	stream.linear.gather [hbm4b:s1+s2], $0x8000, $0x38;
	[tilespmem:$0x18000] =	vst v63  }
0x9c: {  	_ =	swait.ge [sflag:s11], $0x8000  }
0x9d: {  	[sflag:s11] =	ssyncset.done $0x0  }
0x9e: {  	s1 =	rddreg [dreg:$0x1f];
	[sflag:s11] =	ssyncadd.s32 $0xFFFF8000  }
0x9f: {  	[hbm4b:s1+s2] =	stream.linear.scatter [tilespmem:s4], [sflag:$0x5], $0x8000, $0x38;
	[tilespmem:$0x18000] =	vst v63  }
0xa0: {  	_ =	swait.ge [sflag:s7], $0x8000  }
0xa1: {  	s1 =	sld [smem:$0x7FB]  }
0xa2: {  	[sflag:s7] =	ssyncset.done $0x0  }
0xa3: {  	[sflag:s7] =	ssyncadd.s32 $0xFFFF8000  }
0xa4: {  	[tilespmem:s2], [sflag:$0x1] =	stream.linear.gather [hbm4b:s1+s2], $0x8000, $0x38;
	[tilespmem:$0x18000] =	vst v63  }
0xa5: {  	_ =	swait.ge [sflag:s19], $0x8000  }
0xa6: {  	s1 =	sld [smem:$0x7FC]  }
0xa7: {  	[sflag:s19] =	ssyncset.done $0x0  }
0xa8: {  	[sflag:s19] =	ssyncadd.s32 $0xFFFF8000  }
0xa9: {  	[hbm4b:s1+s2] =	stream.linear.scatter [tilespmem:s17], [sflag:$0x6], $0x8000, $0x38;
	[tilespmem:$0x18000] =	vst v63  }
0xaa: {  	_ =	swait.ge [sflag:s5], $0x8000  }
0xab: {  	s1 =	sld [smem:$0x7FD]  }
0xac: {  	[sflag:s5] =	ssyncset.done $0x0  }
0xad: {  	[sflag:s5] =	ssyncadd.s32 $0xFFFF8000  }
0xae: {  	[tilespmem:s4], [sflag:$0x2] =	stream.linear.gather [hbm4b:s1+s2], $0x8000, $0x38;
	[tilespmem:$0x18000] =	vst v63  }
0xaf: {  	_ =	swait.ge [sflag:s9], $0x8000  }
0xb0: {  	[sflag:s9] =	ssyncset.done $0x0  }
0xb1: {  	[sflag:s9] =	ssyncadd.s32 $0xFFFF8000  }
0xb2: {  	[hbm4b:s31+s2] =	stream.linear.scatter [tilespmem:s2], [sflag:$0x4], $0x8000, $0x38;
	[tilespmem:$0x18000] =	vst v63  }
0xb3: {  	_ =	swait.ge [sflag:s12], $0x8000  }
0xb4: {  	[sflag:s12] =	ssyncset.done $0x0  }
0xb5: {  	[sflag:s12] =	ssyncadd.s32 $0xFFFF8000  }
0xb6: {  	[tilespmem:s17], [sflag:$0x3] =	stream.linear.gather [hbm4b:s30+s2], $0x8000, $0x38;
	[tilespmem:$0x18000] =	vst v63  }
0xb7: {  	_ =	swait.ge [sflag:s11], $0x8000  }
0xb8: {  	[sflag:s11] =	ssyncset.done $0x0  }
0xb9: {  	[sflag:s11] =	ssyncadd.s32 $0xFFFF8000  }
0xba: {  	[hbm4b:s29+s2] =	stream.linear.scatter [tilespmem:s4], [sflag:$0x5], $0x8000, $0x38;
	[tilespmem:$0x18000] =	vst v63  }
0xbb: {  	_ =	swait.ge [sflag:s7], $0x8000  }
0xbc: {  	[sflag:s7] =	ssyncset.done $0x0  }
0xbd: {  	[sflag:s7] =	ssyncadd.s32 $0xFFFF8000  }
0xbe: {  	[tilespmem:s2], [sflag:$0x1] =	stream.linear.gather [hbm4b:s28+s2], $0x8000, $0x38;
	[tilespmem:$0x18000] =	vst v63  }
0xbf: {  	_ =	swait.ge [sflag:s19], $0x8000  }
0xc0: {  	[sflag:s19] =	ssyncset.done $0x0  }
0xc1: {  	[sflag:s19] =	ssyncadd.s32 $0xFFFF8000  }
0xc2: {  	[hbm4b:s26+s2] =	stream.linear.scatter [tilespmem:s17], [sflag:$0x6], $0x8000, $0x38;
	[tilespmem:$0x18000] =	vst v63  }
0xc3: {  	_ =	swait.ge [sflag:s5], $0x8000  }
0xc4: {  	[sflag:s5] =	ssyncset.done $0x0  }
0xc5: {  	[sflag:s5] =	ssyncadd.s32 $0xFFFF8000  }
0xc6: {  	[tilespmem:s4], [sflag:$0x2] =	stream.linear.gather [hbm4b:s25+s2], $0x8000, $0x38;
	[tilespmem:$0x18000] =	vst v63  }
0xc7: {  	_ =	swait.ge [sflag:s9], $0x8000  }
0xc8: {  	[sflag:s9] =	ssyncset.done $0x0  }
0xc9: {  	[sflag:s9] =	ssyncadd.s32 $0xFFFF8000  }
0xca: {  	[hbm4b:s24+s2] =	stream.linear.scatter [tilespmem:s2], [sflag:$0x4], $0x8000, $0x38;
	[tilespmem:$0x18000] =	vst v63  }
0xcb: {  	_ =	swait.ge [sflag:s12], $0x8000  }
0xcc: {  	[sflag:s12] =	ssyncset.done $0x0  }
0xcd: {  	[sflag:s12] =	ssyncadd.s32 $0xFFFF8000  }
0xce: {  	[tilespmem:s17], [sflag:$0x3] =	stream.linear.gather [hbm4b:s23+s2], $0x8000, $0x38;
	[tilespmem:$0x18000] =	vst v63  }
0xcf: {  	_ =	swait.ge [sflag:s11], $0x8000  }
0xd0: {  	[sflag:s11] =	ssyncset.done $0x0  }
0xd1: {  	[sflag:s11] =	ssyncadd.s32 $0xFFFF8000  }
0xd2: {  	[hbm4b:s22+s2] =	stream.linear.scatter [tilespmem:s4], [sflag:$0x5], $0x8000, $0x38;
	[tilespmem:$0x18000] =	vst v63  }
0xd3: {  	_ =	swait.ge [sflag:s7], $0x8000  }
0xd4: {  	[sflag:s7] =	ssyncset.done $0x0  }
0xd5: {  	[sflag:s7] =	ssyncadd.s32 $0xFFFF8000  }
0xd6: {  	[tilespmem:s2], [sflag:$0x1] =	stream.linear.gather [hbm4b:s21+s2], $0x8000, $0x38;
	[tilespmem:$0x18000] =	vst v63  }
0xd7: {  	_ =	swait.ge [sflag:s19], $0x8000  }
0xd8: {  	[sflag:s19] =	ssyncset.done $0x0  }
0xd9: {  	[sflag:s19] =	ssyncadd.s32 $0xFFFF8000  }
0xda: {  	[hbm4b:s20+s2] =	stream.linear.scatter [tilespmem:s17], [sflag:$0x6], $0x8000, $0x38;
	[tilespmem:$0x18000] =	vst v63  }
0xdb: {  	_ =	swait.ge [sflag:s5], $0x8000  }
0xdc: {  	[sflag:s5] =	ssyncset.done $0x0  }
0xdd: {  	[sflag:s5] =	ssyncadd.s32 $0xFFFF8000  }
0xde: {  	[tilespmem:s4], [sflag:$0x2] =	stream.linear.gather [hbm4b:s18+s2], $0x8000, $0x38;
	[tilespmem:$0x18000] =	vst v63  }
0xdf: {  	_ =	swait.ge [sflag:s9], $0x8000  }
0xe0: {  	[sflag:s9] =	ssyncset.done $0x0  }
0xe1: {  	[sflag:s9] =	ssyncadd.s32 $0xFFFF8000  }
0xe2: {  	[hbm4b:s16+s2] =	stream.linear.scatter [tilespmem:s2], [sflag:$0x4], $0x8000, $0x38;
	[tilespmem:$0x18000] =	vst v63  }
0xe3: {  	_ =	swait.ge [sflag:s12], $0x8000  }
0xe4: {  	[sflag:s12] =	ssyncset.done $0x0  }
0xe5: {  	[sflag:s12] =	ssyncadd.s32 $0xFFFF8000  }
0xe6: {  	[tilespmem:s17], [sflag:$0x3] =	stream.linear.gather [hbm4b:s15+s2], $0x8000, $0x38;
	[tilespmem:$0x18000] =	vst v63  }
0xe7: {  	_ =	swait.ge [sflag:s11], $0x8000  }
0xe8: {  	[sflag:s11] =	ssyncset.done $0x0  }
0xe9: {  	[sflag:s11] =	ssyncadd.s32 $0xFFFF8000  }
0xea: {  	[hbm4b:s14+s2] =	stream.linear.scatter [tilespmem:s4], [sflag:$0x5], $0x8000, $0x38;
	[tilespmem:$0x18000] =	vst v63  }
0xeb: {  	_ =	swait.ge [sflag:s7], $0x8000  }
0xec: {  	[sflag:s7] =	ssyncset.done $0x0  }
0xed: {  	[sflag:s7] =	ssyncadd.s32 $0xFFFF8000  }
0xee: {  	[tilespmem:s2], [sflag:$0x1] =	stream.linear.gather [hbm4b:s13+s2], $0x8000, $0x38;
	[tilespmem:$0x18000] =	vst v63  }
0xef: {  	_ =	swait.ge [sflag:s19], $0x8000  }
0xf0: {  	[sflag:s19] =	ssyncset.done $0x0  }
0xf1: {  	[sflag:s19] =	ssyncadd.s32 $0xFFFF8000  }
0xf2: {  	[hbm4b:s10+s2] =	stream.linear.scatter [tilespmem:s17], [sflag:$0x6], $0x8000, $0x38;
	[tilespmem:$0x18000] =	vst v63  }
0xf3: {  	_ =	swait.ge [sflag:s5], $0x8000  }
0xf4: {  	[sflag:s5] =	ssyncset.done $0x0  }
0xf5: {  	[sflag:s5] =	ssyncadd.s32 $0xFFFF8000  }
0xf6: {  	[tilespmem:s4], [sflag:$0x2] =	stream.linear.gather [hbm4b:s8+s2], $0x8000, $0x38;
	[tilespmem:$0x18000] =	vst v63  }
0xf7: {  	_ =	swait.ge [sflag:s9], $0x8000  }
0xf8: {  	[sflag:s9] =	ssyncset.done $0x0  }
0xf9: {  	[sflag:s9] =	ssyncadd.s32 $0xFFFF8000  }
0xfa: {  	[hbm4b:s6+s2] =	stream.linear.scatter [tilespmem:s2], [sflag:$0x4], $0x8000, $0x38;
	[tilespmem:$0x18000] =	vst v63  }
0xfb: {  	_ =	swait.ge [sflag:s11], $0x8000  }
0xfc: {  	[sflag:s11] =	ssyncset.done $0x0  }
0xfd: {  	[sflag:s11] =	ssyncadd.s32 $0xFFFF8000  }
0xfe: {  	[hbm4b:s3+s2] =	stream.linear.scatter [tilespmem:s4], [sflag:$0x5], $0x8000, $0x38;
	[tilespmem:$0x18000] =	vst v63  }
0xff: {  	_ =	swait.ge [sflag:s12], $0x8000  }
0x100: {  	[sflag:s12] =	ssyncset.done $0x0  }
0x101: {  	[sflag:s12] =	ssyncadd.s32 $0xFFFF8000  }
0x102: {  	_ =	swait.ge [sflag:s7], $0x8000  }
0x103: {  	s1 =	sld [smem:$0x7FA];
	_ =	sdelay $0x2  }
0x104: {  	p1 =	sne.s32 s1, $0x1  }
.Ltmp1:
0x105: {  	_ = 	snop;
	(pc) =	sbr.rel @!p1 .LBB2_3-.Ltmp1, $4  }
0x106: {  	[sflag:s7] =	ssyncset.done $0x0  }
0x107: {  	[sflag:s7] =	ssyncadd.s32 $0xFFFF8000  }
0x108: {  	p0 =	por $0x1, $0x1;
	_ =	swait.ge [sflag:s5], $0x8000  }
0x109: {  	s1 =	sadd.s32 $0xFFFFFFFF, s1;
	s0 =	rddreg [dreg:$0x3];
	[sflag:s5] =	ssyncset.done $0x0  }
.LBB2_2:
0x10a: {  	[sflag:s5] =	ssyncadd.s32 $0xFFFF8000;
	s12 =	simm.s32 $0x8000  }
0x10b: {  	s17 =	smov.u32 s31;
	s31 =	smov.u32 s30;
	s30 =	smov.u32 s29  }
0x10c: {  	s29 =	smov.u32 s28;
	s28 =	smov.u32 s26;
	s26 =	smov.u32 s25  }
0x10d: {  	s25 =	smov.u32 s24;
	s24 =	smov.u32 s23;
	s23 =	smov.u32 s22  }
0x10e: {  	s22 =	smov.u32 s21;
	s21 =	smov.u32 s20;
	s20 =	smov.u32 s18  }
0x10f: {  	s18 =	smov.u32 s16;
	s16 =	smov.u32 s15;
	s15 =	smov.u32 s14  }
0x110: {  	s14 =	smov.u32 s13;
	s13 =	smov.u32 s10;
	s10 =	smov.u32 s8  }
0x111: {  	[tilespmem:s2], [sflag:$0x1] =	stream.linear.gather [hbm4b:s0+s2], $0x8000, $0x38;
	[tilespmem:$0x18000] =	vst v63  }
0x112: {  	s8 =	smov.u32 s6;
	s6 =	smov.u32 s3;
	s3 =	rddreg [dreg:$0x4]  }
0x113: {  	[tilespmem:s12], [sflag:$0x2] =	stream.linear.gather [hbm4b:s3+s2], $0x8000, $0x38;
	[tilespmem:$0x18000] =	vst v63  }
0x114: {  	_ =	swait.ge [sflag:s9], $0x8000  }
0x115: {  	[sflag:s9] =	ssyncset.done $0x0  }
0x116: {  	s0 =	rddreg [dreg:$0x5];
	[sflag:s9] =	ssyncadd.s32 $0xFFFF8000  }
0x117: {  	[hbm4b:s0+s2] =	stream.linear.scatter [tilespmem:s2], [sflag:$0x4], $0x8000, $0x38;
	[tilespmem:$0x18000] =	vst v63  }
0x118: {  	s4 =	simm.s32 $0x10000;
	s3 =	rddreg [dreg:$0x6]  }
0x119: {  	[tilespmem:s4], [sflag:$0x3] =	stream.linear.gather [hbm4b:s3+s2], $0x8000, $0x38;
	[tilespmem:$0x18000] =	vst v63  }
0x11a: {  	s4 =	simm.s32 $0x8000  }
0x11b: {  	s3 =	smov.u32 s6;
	s6 =	smov.u32 s8;
	s8 =	smov.u32 s10  }
0x11c: {  	s10 =	smov.u32 s13;
	s13 =	smov.u32 s14;
	s14 =	smov.u32 s15  }
0x11d: {  	s15 =	smov.u32 s16;
	s16 =	smov.u32 s18;
	_ =	swait.ge [sflag:s11], $0x8000  }
0x11e: {  	s18 =	smov.u32 s20;
	s20 =	smov.u32 s21;
	[sflag:s11] =	ssyncset.done $0x0  }
0x11f: {  	s21 =	smov.u32 s22;
	s0 =	rddreg [dreg:$0x7];
	[sflag:s11] =	ssyncadd.s32 $0xFFFF8000  }
0x120: {  	[hbm4b:s0+s2] =	stream.linear.scatter [tilespmem:s4], [sflag:$0x5], $0x8000, $0x38;
	[tilespmem:$0x18000] =	vst v63  }
0x121: {  	s22 =	smov.u32 s23;
	s23 =	smov.u32 s24;
	_ =	swait.ge [sflag:s7], $0x8000  }
0x122: {  	s24 =	smov.u32 s25;
	s25 =	smov.u32 s26;
	[sflag:s7] =	ssyncset.done $0x0  }
0x123: {  	s26 =	smov.u32 s28;
	s0 =	rddreg [dreg:$0x8];
	[sflag:s7] =	ssyncadd.s32 $0xFFFF8000  }
0x124: {  	[tilespmem:s2], [sflag:$0x1] =	stream.linear.gather [hbm4b:s0+s2], $0x8000, $0x38;
	[tilespmem:$0x18000] =	vst v63  }
0x125: {  	s28 =	smov.u32 s29;
	s29 =	smov.u32 s30;
	_ =	swait.ge [sflag:s19], $0x8000  }
0x126: {  	s30 =	smov.u32 s31;
	s31 =	smov.u32 s17;
	[sflag:s19] =	ssyncset.done $0x0  }
0x127: {  	s17 =	simm.s32 $0x10000;
	s0 =	rddreg [dreg:$0x9];
	[sflag:s19] =	ssyncadd.s32 $0xFFFF8000  }
0x128: {  	[hbm4b:s0+s2] =	stream.linear.scatter [tilespmem:s17], [sflag:$0x6], $0x8000, $0x38;
	[tilespmem:$0x18000] =	vst v63  }
0x129: {  	_ =	swait.ge [sflag:s5], $0x8000  }
0x12a: {  	[sflag:s5] =	ssyncset.done $0x0  }
0x12b: {  	s0 =	rddreg [dreg:$0xa];
	[sflag:s5] =	ssyncadd.s32 $0xFFFF8000  }
0x12c: {  	[tilespmem:s4], [sflag:$0x2] =	stream.linear.gather [hbm4b:s0+s2], $0x8000, $0x38;
	[tilespmem:$0x18000] =	vst v63  }
0x12d: {  	_ =	swait.ge [sflag:s9], $0x8000  }
0x12e: {  	[sflag:s9] =	ssyncset.done $0x0  }
0x12f: {  	s12 =	simm.s32 $0x6;
	s0 =	rddreg [dreg:$0xb];
	[sflag:s9] =	ssyncadd.s32 $0xFFFF8000  }
0x130: {  	[hbm4b:s0+s2] =	stream.linear.scatter [tilespmem:s2], [sflag:$0x4], $0x8000, $0x38;
	[tilespmem:$0x18000] =	vst v63  }
0x131: {  	_ =	swait.ge [sflag:s12], $0x8000  }
0x132: {  	[sflag:s12] =	ssyncset.done $0x0  }
0x133: {  	s0 =	rddreg [dreg:$0xc];
	[sflag:s12] =	ssyncadd.s32 $0xFFFF8000  }
0x134: {  	[tilespmem:s17], [sflag:$0x3] =	stream.linear.gather [hbm4b:s0+s2], $0x8000, $0x38;
	[tilespmem:$0x18000] =	vst v63  }
0x135: {  	_ =	swait.ge [sflag:s11], $0x8000  }
0x136: {  	[sflag:s11] =	ssyncset.done $0x0  }
0x137: {  	s0 =	rddreg [dreg:$0xd];
	[sflag:s11] =	ssyncadd.s32 $0xFFFF8000  }
0x138: {  	[hbm4b:s0+s2] =	stream.linear.scatter [tilespmem:s4], [sflag:$0x5], $0x8000, $0x38;
	[tilespmem:$0x18000] =	vst v63  }
0x139: {  	_ =	swait.ge [sflag:s7], $0x8000  }
0x13a: {  	[sflag:s7] =	ssyncset.done $0x0  }
0x13b: {  	s0 =	rddreg [dreg:$0xe];
	[sflag:s7] =	ssyncadd.s32 $0xFFFF8000  }
0x13c: {  	[tilespmem:s2], [sflag:$0x1] =	stream.linear.gather [hbm4b:s0+s2], $0x8000, $0x38;
	[tilespmem:$0x18000] =	vst v63  }
0x13d: {  	_ =	swait.ge [sflag:s19], $0x8000  }
0x13e: {  	[sflag:s19] =	ssyncset.done $0x0  }
0x13f: {  	s0 =	rddreg [dreg:$0xf];
	[sflag:s19] =	ssyncadd.s32 $0xFFFF8000  }
0x140: {  	[hbm4b:s0+s2] =	stream.linear.scatter [tilespmem:s17], [sflag:$0x6], $0x8000, $0x38;
	[tilespmem:$0x18000] =	vst v63  }
0x141: {  	_ =	swait.ge [sflag:s5], $0x8000  }
0x142: {  	[sflag:s5] =	ssyncset.done $0x0  }
0x143: {  	s0 =	rddreg [dreg:$0x10];
	[sflag:s5] =	ssyncadd.s32 $0xFFFF8000  }
0x144: {  	[tilespmem:s4], [sflag:$0x2] =	stream.linear.gather [hbm4b:s0+s2], $0x8000, $0x38;
	[tilespmem:$0x18000] =	vst v63  }
0x145: {  	_ =	swait.ge [sflag:s9], $0x8000  }
0x146: {  	[sflag:s9] =	ssyncset.done $0x0  }
0x147: {  	s0 =	rddreg [dreg:$0x11];
	[sflag:s9] =	ssyncadd.s32 $0xFFFF8000  }
0x148: {  	[hbm4b:s0+s2] =	stream.linear.scatter [tilespmem:s2], [sflag:$0x4], $0x8000, $0x38;
	[tilespmem:$0x18000] =	vst v63  }
0x149: {  	_ =	swait.ge [sflag:s12], $0x8000  }
0x14a: {  	[sflag:s12] =	ssyncset.done $0x0  }
0x14b: {  	s0 =	rddreg [dreg:$0x12];
	[sflag:s12] =	ssyncadd.s32 $0xFFFF8000  }
0x14c: {  	[tilespmem:s17], [sflag:$0x3] =	stream.linear.gather [hbm4b:s0+s2], $0x8000, $0x38;
	[tilespmem:$0x18000] =	vst v63  }
0x14d: {  	_ =	swait.ge [sflag:s11], $0x8000  }
0x14e: {  	[sflag:s11] =	ssyncset.done $0x0  }
0x14f: {  	s0 =	rddreg [dreg:$0x13];
	[sflag:s11] =	ssyncadd.s32 $0xFFFF8000  }
0x150: {  	[hbm4b:s0+s2] =	stream.linear.scatter [tilespmem:s4], [sflag:$0x5], $0x8000, $0x38;
	[tilespmem:$0x18000] =	vst v63  }
0x151: {  	_ =	swait.ge [sflag:s7], $0x8000  }
0x152: {  	[sflag:s7] =	ssyncset.done $0x0  }
0x153: {  	s0 =	rddreg [dreg:$0x14];
	[sflag:s7] =	ssyncadd.s32 $0xFFFF8000  }
0x154: {  	[tilespmem:s2], [sflag:$0x1] =	stream.linear.gather [hbm4b:s0+s2], $0x8000, $0x38;
	[tilespmem:$0x18000] =	vst v63  }
0x155: {  	_ =	swait.ge [sflag:s19], $0x8000  }
0x156: {  	[sflag:s19] =	ssyncset.done $0x0  }
0x157: {  	s0 =	rddreg [dreg:$0x15];
	[sflag:s19] =	ssyncadd.s32 $0xFFFF8000  }
0x158: {  	[hbm4b:s0+s2] =	stream.linear.scatter [tilespmem:s17], [sflag:$0x6], $0x8000, $0x38;
	[tilespmem:$0x18000] =	vst v63  }
0x159: {  	_ =	swait.ge [sflag:s5], $0x8000  }
0x15a: {  	[sflag:s5] =	ssyncset.done $0x0  }
0x15b: {  	s0 =	rddreg [dreg:$0x16];
	[sflag:s5] =	ssyncadd.s32 $0xFFFF8000  }
0x15c: {  	[tilespmem:s4], [sflag:$0x2] =	stream.linear.gather [hbm4b:s0+s2], $0x8000, $0x38;
	[tilespmem:$0x18000] =	vst v63  }
0x15d: {  	_ =	swait.ge [sflag:s9], $0x8000  }
0x15e: {  	[sflag:s9] =	ssyncset.done $0x0  }
0x15f: {  	s0 =	rddreg [dreg:$0x17];
	[sflag:s9] =	ssyncadd.s32 $0xFFFF8000  }
0x160: {  	[hbm4b:s0+s2] =	stream.linear.scatter [tilespmem:s2], [sflag:$0x4], $0x8000, $0x38;
	[tilespmem:$0x18000] =	vst v63  }
0x161: {  	_ =	swait.ge [sflag:s12], $0x8000  }
0x162: {  	[sflag:s12] =	ssyncset.done $0x0  }
0x163: {  	s0 =	rddreg [dreg:$0x18];
	[sflag:s12] =	ssyncadd.s32 $0xFFFF8000  }
0x164: {  	[tilespmem:s17], [sflag:$0x3] =	stream.linear.gather [hbm4b:s0+s2], $0x8000, $0x38;
	[tilespmem:$0x18000] =	vst v63  }
0x165: {  	_ =	swait.ge [sflag:s11], $0x8000  }
0x166: {  	[sflag:s11] =	ssyncset.done $0x0  }
0x167: {  	s0 =	rddreg [dreg:$0x19];
	[sflag:s11] =	ssyncadd.s32 $0xFFFF8000  }
0x168: {  	[hbm4b:s0+s2] =	stream.linear.scatter [tilespmem:s4], [sflag:$0x5], $0x8000, $0x38;
	[tilespmem:$0x18000] =	vst v63  }
0x169: {  	_ =	swait.ge [sflag:s7], $0x8000  }
0x16a: {  	[sflag:s7] =	ssyncset.done $0x0  }
0x16b: {  	s0 =	rddreg [dreg:$0x1a];
	[sflag:s7] =	ssyncadd.s32 $0xFFFF8000  }
0x16c: {  	[tilespmem:s2], [sflag:$0x1] =	stream.linear.gather [hbm4b:s0+s2], $0x8000, $0x38;
	[tilespmem:$0x18000] =	vst v63  }
0x16d: {  	_ =	swait.ge [sflag:s19], $0x8000  }
0x16e: {  	[sflag:s19] =	ssyncset.done $0x0  }
0x16f: {  	s0 =	rddreg [dreg:$0x1b];
	[sflag:s19] =	ssyncadd.s32 $0xFFFF8000  }
0x170: {  	[hbm4b:s0+s2] =	stream.linear.scatter [tilespmem:s17], [sflag:$0x6], $0x8000, $0x38;
	[tilespmem:$0x18000] =	vst v63  }
0x171: {  	_ =	swait.ge [sflag:s5], $0x8000  }
0x172: {  	[sflag:s5] =	ssyncset.done $0x0  }
0x173: {  	s0 =	rddreg [dreg:$0x1c];
	[sflag:s5] =	ssyncadd.s32 $0xFFFF8000  }
0x174: {  	[tilespmem:s4], [sflag:$0x2] =	stream.linear.gather [hbm4b:s0+s2], $0x8000, $0x38;
	[tilespmem:$0x18000] =	vst v63  }
0x175: {  	_ =	swait.ge [sflag:s9], $0x8000  }
0x176: {  	[sflag:s9] =	ssyncset.done $0x0  }
0x177: {  	s0 =	rddreg [dreg:$0x1d];
	[sflag:s9] =	ssyncadd.s32 $0xFFFF8000  }
0x178: {  	[hbm4b:s0+s2] =	stream.linear.scatter [tilespmem:s2], [sflag:$0x4], $0x8000, $0x38;
	[tilespmem:$0x18000] =	vst v63  }
0x179: {  	_ =	swait.ge [sflag:s12], $0x8000  }
0x17a: {  	[sflag:s12] =	ssyncset.done $0x0  }
0x17b: {  	s0 =	rddreg [dreg:$0x1e];
	[sflag:s12] =	ssyncadd.s32 $0xFFFF8000  }
0x17c: {  	[tilespmem:s17], [sflag:$0x3] =	stream.linear.gather [hbm4b:s0+s2], $0x8000, $0x38;
	[tilespmem:$0x18000] =	vst v63  }
0x17d: {  	_ =	swait.ge [sflag:s11], $0x8000  }
0x17e: {  	[sflag:s11] =	ssyncset.done $0x0  }
0x17f: {  	s0 =	rddreg [dreg:$0x1f];
	[sflag:s11] =	ssyncadd.s32 $0xFFFF8000  }
0x180: {  	[hbm4b:s0+s2] =	stream.linear.scatter [tilespmem:s4], [sflag:$0x5], $0x8000, $0x38;
	[tilespmem:$0x18000] =	vst v63  }
0x181: {  	_ =	swait.ge [sflag:s7], $0x8000  }
0x182: {  	s0 =	sld [smem:$0x7FB]  }
0x183: {  	[sflag:s7] =	ssyncset.done $0x0  }
0x184: {  	[sflag:s7] =	ssyncadd.s32 $0xFFFF8000  }
0x185: {  	[tilespmem:s2], [sflag:$0x1] =	stream.linear.gather [hbm4b:s0+s2], $0x8000, $0x38;
	[tilespmem:$0x18000] =	vst v63  }
0x186: {  	_ =	swait.ge [sflag:s19], $0x8000  }
0x187: {  	s0 =	sld [smem:$0x7FC]  }
0x188: {  	[sflag:s19] =	ssyncset.done $0x0  }
0x189: {  	[sflag:s19] =	ssyncadd.s32 $0xFFFF8000  }
0x18a: {  	[hbm4b:s0+s2] =	stream.linear.scatter [tilespmem:s17], [sflag:$0x6], $0x8000, $0x38;
	[tilespmem:$0x18000] =	vst v63  }
0x18b: {  	_ =	swait.ge [sflag:s5], $0x8000  }
0x18c: {  	s0 =	sld [smem:$0x7FD]  }
0x18d: {  	[sflag:s5] =	ssyncset.done $0x0  }
0x18e: {  	[sflag:s5] =	ssyncadd.s32 $0xFFFF8000  }
0x18f: {  	[tilespmem:s4], [sflag:$0x2] =	stream.linear.gather [hbm4b:s0+s2], $0x8000, $0x38;
	[tilespmem:$0x18000] =	vst v63  }
0x190: {  	_ =	swait.ge [sflag:s9], $0x8000  }
0x191: {  	[sflag:s9] =	ssyncset.done $0x0  }
0x192: {  	[sflag:s9] =	ssyncadd.s32 $0xFFFF8000  }
0x193: {  	[hbm4b:s31+s2] =	stream.linear.scatter [tilespmem:s2], [sflag:$0x4], $0x8000, $0x38;
	[tilespmem:$0x18000] =	vst v63  }
0x194: {  	_ =	swait.ge [sflag:s12], $0x8000  }
0x195: {  	[sflag:s12] =	ssyncset.done $0x0  }
0x196: {  	[sflag:s12] =	ssyncadd.s32 $0xFFFF8000  }
0x197: {  	[tilespmem:s17], [sflag:$0x3] =	stream.linear.gather [hbm4b:s30+s2], $0x8000, $0x38;
	[tilespmem:$0x18000] =	vst v63  }
0x198: {  	_ =	swait.ge [sflag:s11], $0x8000  }
0x199: {  	[sflag:s11] =	ssyncset.done $0x0  }
0x19a: {  	[sflag:s11] =	ssyncadd.s32 $0xFFFF8000  }
0x19b: {  	[hbm4b:s29+s2] =	stream.linear.scatter [tilespmem:s4], [sflag:$0x5], $0x8000, $0x38;
	[tilespmem:$0x18000] =	vst v63  }
0x19c: {  	_ =	swait.ge [sflag:s7], $0x8000  }
0x19d: {  	[sflag:s7] =	ssyncset.done $0x0  }
0x19e: {  	[sflag:s7] =	ssyncadd.s32 $0xFFFF8000  }
0x19f: {  	[tilespmem:s2], [sflag:$0x1] =	stream.linear.gather [hbm4b:s28+s2], $0x8000, $0x38;
	[tilespmem:$0x18000] =	vst v63  }
0x1a0: {  	_ =	swait.ge [sflag:s19], $0x8000  }
0x1a1: {  	[sflag:s19] =	ssyncset.done $0x0  }
0x1a2: {  	[sflag:s19] =	ssyncadd.s32 $0xFFFF8000  }
0x1a3: {  	[hbm4b:s26+s2] =	stream.linear.scatter [tilespmem:s17], [sflag:$0x6], $0x8000, $0x38;
	[tilespmem:$0x18000] =	vst v63  }
0x1a4: {  	_ =	swait.ge [sflag:s5], $0x8000  }
0x1a5: {  	[sflag:s5] =	ssyncset.done $0x0  }
0x1a6: {  	[sflag:s5] =	ssyncadd.s32 $0xFFFF8000  }
0x1a7: {  	[tilespmem:s4], [sflag:$0x2] =	stream.linear.gather [hbm4b:s25+s2], $0x8000, $0x38;
	[tilespmem:$0x18000] =	vst v63  }
0x1a8: {  	_ =	swait.ge [sflag:s9], $0x8000  }
0x1a9: {  	[sflag:s9] =	ssyncset.done $0x0  }
0x1aa: {  	[sflag:s9] =	ssyncadd.s32 $0xFFFF8000  }
0x1ab: {  	[hbm4b:s24+s2] =	stream.linear.scatter [tilespmem:s2], [sflag:$0x4], $0x8000, $0x38;
	[tilespmem:$0x18000] =	vst v63  }
0x1ac: {  	_ =	swait.ge [sflag:s12], $0x8000  }
0x1ad: {  	[sflag:s12] =	ssyncset.done $0x0  }
0x1ae: {  	[sflag:s12] =	ssyncadd.s32 $0xFFFF8000  }
0x1af: {  	[tilespmem:s17], [sflag:$0x3] =	stream.linear.gather [hbm4b:s23+s2], $0x8000, $0x38;
	[tilespmem:$0x18000] =	vst v63  }
0x1b0: {  	_ =	swait.ge [sflag:s11], $0x8000  }
0x1b1: {  	[sflag:s11] =	ssyncset.done $0x0  }
0x1b2: {  	[sflag:s11] =	ssyncadd.s32 $0xFFFF8000  }
0x1b3: {  	[hbm4b:s22+s2] =	stream.linear.scatter [tilespmem:s4], [sflag:$0x5], $0x8000, $0x38;
	[tilespmem:$0x18000] =	vst v63  }
0x1b4: {  	_ =	swait.ge [sflag:s7], $0x8000  }
0x1b5: {  	[sflag:s7] =	ssyncset.done $0x0  }
0x1b6: {  	[sflag:s7] =	ssyncadd.s32 $0xFFFF8000  }
0x1b7: {  	[tilespmem:s2], [sflag:$0x1] =	stream.linear.gather [hbm4b:s21+s2], $0x8000, $0x38;
	[tilespmem:$0x18000] =	vst v63  }
0x1b8: {  	_ =	swait.ge [sflag:s19], $0x8000  }
0x1b9: {  	[sflag:s19] =	ssyncset.done $0x0  }
0x1ba: {  	[sflag:s19] =	ssyncadd.s32 $0xFFFF8000  }
0x1bb: {  	[hbm4b:s20+s2] =	stream.linear.scatter [tilespmem:s17], [sflag:$0x6], $0x8000, $0x38;
	[tilespmem:$0x18000] =	vst v63  }
0x1bc: {  	_ =	swait.ge [sflag:s5], $0x8000  }
0x1bd: {  	[sflag:s5] =	ssyncset.done $0x0  }
0x1be: {  	[sflag:s5] =	ssyncadd.s32 $0xFFFF8000  }
0x1bf: {  	[tilespmem:s4], [sflag:$0x2] =	stream.linear.gather [hbm4b:s18+s2], $0x8000, $0x38;
	[tilespmem:$0x18000] =	vst v63  }
0x1c0: {  	_ =	swait.ge [sflag:s9], $0x8000  }
0x1c1: {  	[sflag:s9] =	ssyncset.done $0x0  }
0x1c2: {  	[sflag:s9] =	ssyncadd.s32 $0xFFFF8000  }
0x1c3: {  	[hbm4b:s16+s2] =	stream.linear.scatter [tilespmem:s2], [sflag:$0x4], $0x8000, $0x38;
	[tilespmem:$0x18000] =	vst v63  }
0x1c4: {  	_ =	swait.ge [sflag:s12], $0x8000  }
0x1c5: {  	[sflag:s12] =	ssyncset.done $0x0  }
0x1c6: {  	[sflag:s12] =	ssyncadd.s32 $0xFFFF8000  }
0x1c7: {  	[tilespmem:s17], [sflag:$0x3] =	stream.linear.gather [hbm4b:s15+s2], $0x8000, $0x38;
	[tilespmem:$0x18000] =	vst v63  }
0x1c8: {  	_ =	swait.ge [sflag:s11], $0x8000  }
0x1c9: {  	[sflag:s11] =	ssyncset.done $0x0  }
0x1ca: {  	[sflag:s11] =	ssyncadd.s32 $0xFFFF8000  }
0x1cb: {  	[hbm4b:s14+s2] =	stream.linear.scatter [tilespmem:s4], [sflag:$0x5], $0x8000, $0x38;
	[tilespmem:$0x18000] =	vst v63  }
0x1cc: {  	_ =	swait.ge [sflag:s7], $0x8000  }
0x1cd: {  	[sflag:s7] =	ssyncset.done $0x0  }
0x1ce: {  	[sflag:s7] =	ssyncadd.s32 $0xFFFF8000  }
0x1cf: {  	[tilespmem:s2], [sflag:$0x1] =	stream.linear.gather [hbm4b:s13+s2], $0x8000, $0x38;
	[tilespmem:$0x18000] =	vst v63  }
0x1d0: {  	_ =	swait.ge [sflag:s19], $0x8000  }
0x1d1: {  	[sflag:s19] =	ssyncset.done $0x0  }
0x1d2: {  	[sflag:s19] =	ssyncadd.s32 $0xFFFF8000  }
0x1d3: {  	[hbm4b:s10+s2] =	stream.linear.scatter [tilespmem:s17], [sflag:$0x6], $0x8000, $0x38;
	[tilespmem:$0x18000] =	vst v63  }
0x1d4: {  	_ =	swait.ge [sflag:s5], $0x8000  }
0x1d5: {  	[sflag:s5] =	ssyncset.done $0x0  }
0x1d6: {  	[sflag:s5] =	ssyncadd.s32 $0xFFFF8000  }
0x1d7: {  	[tilespmem:s4], [sflag:$0x2] =	stream.linear.gather [hbm4b:s8+s2], $0x8000, $0x38;
	[tilespmem:$0x18000] =	vst v63  }
0x1d8: {  	_ =	swait.ge [sflag:s9], $0x8000  }
0x1d9: {  	[sflag:s9] =	ssyncset.done $0x0  }
0x1da: {  	[sflag:s9] =	ssyncadd.s32 $0xFFFF8000  }
0x1db: {  	[hbm4b:s6+s2] =	stream.linear.scatter [tilespmem:s2], [sflag:$0x4], $0x8000, $0x38;
	[tilespmem:$0x18000] =	vst v63  }
0x1dc: {  	_ =	swait.ge [sflag:s11], $0x8000  }
0x1dd: {  	[sflag:s11] =	ssyncset.done $0x0  }
0x1de: {  	[sflag:s11] =	ssyncadd.s32 $0xFFFF8000  }
0x1df: {  	[hbm4b:s3+s2] =	stream.linear.scatter [tilespmem:s4], [sflag:$0x5], $0x8000, $0x38;
	[tilespmem:$0x18000] =	vst v63  }
0x1e0: {  	_ =	swait.ge [sflag:s12], $0x8000  }
0x1e1: {  	[sflag:s12] =	ssyncset.done $0x0  }
0x1e2: {  	p1 =	sne.s32 s1, $0x1;
	[sflag:s12] =	ssyncadd.s32 $0xFFFF8000  }
.Ltmp2:
0x1e3: {  	_ =	swait.ge [sflag:s7], $0x8000;
	(pc) =	sbr.rel @p1 .LBB2_2-.Ltmp2, $4  }
0x1e4: {  	[sflag:s7] =	ssyncset.done $0x0  }
0x1e5: {  	[sflag:s7] =	ssyncadd.s32 $0xFFFF8000  }
0x1e6: {  	_ =	swait.ge [sflag:s5], $0x8000  }
0x1e7: {  	s1 =	sadd.s32 $0xFFFFFFFF, s1;
	s0 =	rddreg [dreg:$0x3];
	[sflag:s5] =	ssyncset.done $0x0  }
.LBB2_3:
0x1e8: {  	[sflag:s5] =	ssyncadd.s32 @p0 $0xFFFF8000  }
0x1e9: {  	[tilespmem:s2], [sflag:$0x1] =	stream.linear.gather [hbm4b:s0+s2], $0x8000, $0x38;
	[tilespmem:$0x18000] =	vst v63  }
0x1ea: {  	s1 =	rddreg [dreg:$0x4]  }
0x1eb: {  	[tilespmem:s4], [sflag:$0x2] =	stream.linear.gather [hbm4b:s1+s2], $0x8000, $0x38;
	[tilespmem:$0x18000] =	vst v63  }
0x1ec: {  	_ =	swait.ge [sflag:s9], $0x8000  }
0x1ed: {  	[sflag:s9] =	ssyncset.done $0x0  }
0x1ee: {  	s0 =	rddreg [dreg:$0x5];
	[sflag:s9] =	ssyncadd.s32 $0xFFFF8000  }
0x1ef: {  	[hbm4b:s0+s2] =	stream.linear.scatter [tilespmem:s2], [sflag:$0x4], $0x8000, $0x38;
	[tilespmem:$0x18000] =	vst v63  }
0x1f0: {  	s1 =	rddreg [dreg:$0x6]  }
0x1f1: {  	[tilespmem:s17], [sflag:$0x3] =	stream.linear.gather [hbm4b:s1+s2], $0x8000, $0x38;
	[tilespmem:$0x18000] =	vst v63  }
0x1f2: {  	_ =	swait.ge [sflag:s11], $0x8000  }
0x1f3: {  	[sflag:s11] =	ssyncset.done $0x0  }
0x1f4: {  	s1 =	rddreg [dreg:$0x7];
	[sflag:s11] =	ssyncadd.s32 $0xFFFF8000  }
0x1f5: {  	[hbm4b:s1+s2] =	stream.linear.scatter [tilespmem:s4], [sflag:$0x5], $0x8000, $0x38;
	[tilespmem:$0x18000] =	vst v63  }
0x1f6: {  	_ =	swait.ge [sflag:s7], $0x8000  }
0x1f7: {  	[sflag:s7] =	ssyncset.done $0x0  }
0x1f8: {  	s1 =	rddreg [dreg:$0x8];
	[sflag:s7] =	ssyncadd.s32 $0xFFFF8000  }
0x1f9: {  	[tilespmem:s2], [sflag:$0x1] =	stream.linear.gather [hbm4b:s1+s2], $0x8000, $0x38;
	[tilespmem:$0x18000] =	vst v63  }
0x1fa: {  	_ =	swait.ge [sflag:s19], $0x8000  }
0x1fb: {  	[sflag:s19] =	ssyncset.done $0x0  }
0x1fc: {  	s1 =	rddreg [dreg:$0x9];
	[sflag:s19] =	ssyncadd.s32 $0xFFFF8000  }
0x1fd: {  	[hbm4b:s1+s2] =	stream.linear.scatter [tilespmem:s17], [sflag:$0x6], $0x8000, $0x38;
	[tilespmem:$0x18000] =	vst v63  }
0x1fe: {  	_ =	swait.ge [sflag:s5], $0x8000  }
0x1ff: {  	[sflag:s5] =	ssyncset.done $0x0  }
0x200: {  	s1 =	rddreg [dreg:$0xa];
	[sflag:s5] =	ssyncadd.s32 $0xFFFF8000  }
0x201: {  	[tilespmem:s4], [sflag:$0x2] =	stream.linear.gather [hbm4b:s1+s2], $0x8000, $0x38;
	[tilespmem:$0x18000] =	vst v63  }
0x202: {  	_ =	swait.ge [sflag:s9], $0x8000  }
0x203: {  	[sflag:s9] =	ssyncset.done $0x0  }
0x204: {  	s1 =	rddreg [dreg:$0xb];
	[sflag:s9] =	ssyncadd.s32 $0xFFFF8000  }
0x205: {  	[hbm4b:s1+s2] =	stream.linear.scatter [tilespmem:s2], [sflag:$0x4], $0x8000, $0x38;
	[tilespmem:$0x18000] =	vst v63  }
0x206: {  	_ =	swait.ge [sflag:s12], $0x8000  }
0x207: {  	[sflag:s12] =	ssyncset.done $0x0  }
0x208: {  	s1 =	rddreg [dreg:$0xc];
	[sflag:s12] =	ssyncadd.s32 $0xFFFF8000  }
0x209: {  	[tilespmem:s17], [sflag:$0x3] =	stream.linear.gather [hbm4b:s1+s2], $0x8000, $0x38;
	[tilespmem:$0x18000] =	vst v63  }
0x20a: {  	_ =	swait.ge [sflag:s11], $0x8000  }
0x20b: {  	[sflag:s11] =	ssyncset.done $0x0  }
0x20c: {  	s1 =	rddreg [dreg:$0xd];
	[sflag:s11] =	ssyncadd.s32 $0xFFFF8000  }
0x20d: {  	[hbm4b:s1+s2] =	stream.linear.scatter [tilespmem:s4], [sflag:$0x5], $0x8000, $0x38;
	[tilespmem:$0x18000] =	vst v63  }
0x20e: {  	_ =	swait.ge [sflag:s7], $0x8000  }
0x20f: {  	[sflag:s7] =	ssyncset.done $0x0  }
0x210: {  	s1 =	rddreg [dreg:$0xe];
	[sflag:s7] =	ssyncadd.s32 $0xFFFF8000  }
0x211: {  	[tilespmem:s2], [sflag:$0x1] =	stream.linear.gather [hbm4b:s1+s2], $0x8000, $0x38;
	[tilespmem:$0x18000] =	vst v63  }
0x212: {  	_ =	swait.ge [sflag:s19], $0x8000  }
0x213: {  	[sflag:s19] =	ssyncset.done $0x0  }
0x214: {  	s1 =	rddreg [dreg:$0xf];
	[sflag:s19] =	ssyncadd.s32 $0xFFFF8000  }
0x215: {  	[hbm4b:s1+s2] =	stream.linear.scatter [tilespmem:s17], [sflag:$0x6], $0x8000, $0x38;
	[tilespmem:$0x18000] =	vst v63  }
0x216: {  	_ =	swait.ge [sflag:s5], $0x8000  }
0x217: {  	[sflag:s5] =	ssyncset.done $0x0  }
0x218: {  	s1 =	rddreg [dreg:$0x10];
	[sflag:s5] =	ssyncadd.s32 $0xFFFF8000  }
0x219: {  	[tilespmem:s4], [sflag:$0x2] =	stream.linear.gather [hbm4b:s1+s2], $0x8000, $0x38;
	[tilespmem:$0x18000] =	vst v63  }
0x21a: {  	_ =	swait.ge [sflag:s9], $0x8000  }
0x21b: {  	[sflag:s9] =	ssyncset.done $0x0  }
0x21c: {  	s1 =	rddreg [dreg:$0x11];
	[sflag:s9] =	ssyncadd.s32 $0xFFFF8000  }
0x21d: {  	[hbm4b:s1+s2] =	stream.linear.scatter [tilespmem:s2], [sflag:$0x4], $0x8000, $0x38;
	[tilespmem:$0x18000] =	vst v63  }
0x21e: {  	_ =	swait.ge [sflag:s12], $0x8000  }
0x21f: {  	[sflag:s12] =	ssyncset.done $0x0  }
0x220: {  	s1 =	rddreg [dreg:$0x12];
	[sflag:s12] =	ssyncadd.s32 $0xFFFF8000  }
0x221: {  	[tilespmem:s17], [sflag:$0x3] =	stream.linear.gather [hbm4b:s1+s2], $0x8000, $0x38;
	[tilespmem:$0x18000] =	vst v63  }
0x222: {  	_ =	swait.ge [sflag:s11], $0x8000  }
0x223: {  	[sflag:s11] =	ssyncset.done $0x0  }
0x224: {  	s1 =	rddreg [dreg:$0x13];
	[sflag:s11] =	ssyncadd.s32 $0xFFFF8000  }
0x225: {  	[hbm4b:s1+s2] =	stream.linear.scatter [tilespmem:s4], [sflag:$0x5], $0x8000, $0x38;
	[tilespmem:$0x18000] =	vst v63  }
0x226: {  	_ =	swait.ge [sflag:s7], $0x8000  }
0x227: {  	[sflag:s7] =	ssyncset.done $0x0  }
0x228: {  	s1 =	rddreg [dreg:$0x14];
	[sflag:s7] =	ssyncadd.s32 $0xFFFF8000  }
0x229: {  	[tilespmem:s2], [sflag:$0x1] =	stream.linear.gather [hbm4b:s1+s2], $0x8000, $0x38;
	[tilespmem:$0x18000] =	vst v63  }
0x22a: {  	_ =	swait.ge [sflag:s19], $0x8000  }
0x22b: {  	[sflag:s19] =	ssyncset.done $0x0  }
0x22c: {  	s1 =	rddreg [dreg:$0x15];
	[sflag:s19] =	ssyncadd.s32 $0xFFFF8000  }
0x22d: {  	[hbm4b:s1+s2] =	stream.linear.scatter [tilespmem:s17], [sflag:$0x6], $0x8000, $0x38;
	[tilespmem:$0x18000] =	vst v63  }
0x22e: {  	_ =	swait.ge [sflag:s5], $0x8000  }
0x22f: {  	[sflag:s5] =	ssyncset.done $0x0  }
0x230: {  	s1 =	rddreg [dreg:$0x16];
	[sflag:s5] =	ssyncadd.s32 $0xFFFF8000  }
0x231: {  	[tilespmem:s4], [sflag:$0x2] =	stream.linear.gather [hbm4b:s1+s2], $0x8000, $0x38;
	[tilespmem:$0x18000] =	vst v63  }
0x232: {  	_ =	swait.ge [sflag:s9], $0x8000  }
0x233: {  	[sflag:s9] =	ssyncset.done $0x0  }
0x234: {  	s1 =	rddreg [dreg:$0x17];
	[sflag:s9] =	ssyncadd.s32 $0xFFFF8000  }
0x235: {  	[hbm4b:s1+s2] =	stream.linear.scatter [tilespmem:s2], [sflag:$0x4], $0x8000, $0x38;
	[tilespmem:$0x18000] =	vst v63  }
0x236: {  	_ =	swait.ge [sflag:s12], $0x8000  }
0x237: {  	[sflag:s12] =	ssyncset.done $0x0  }
0x238: {  	s1 =	rddreg [dreg:$0x18];
	[sflag:s12] =	ssyncadd.s32 $0xFFFF8000  }
0x239: {  	[tilespmem:s17], [sflag:$0x3] =	stream.linear.gather [hbm4b:s1+s2], $0x8000, $0x38;
	[tilespmem:$0x18000] =	vst v63  }
0x23a: {  	_ =	swait.ge [sflag:s11], $0x8000  }
0x23b: {  	[sflag:s11] =	ssyncset.done $0x0  }
0x23c: {  	s1 =	rddreg [dreg:$0x19];
	[sflag:s11] =	ssyncadd.s32 $0xFFFF8000  }
0x23d: {  	[hbm4b:s1+s2] =	stream.linear.scatter [tilespmem:s4], [sflag:$0x5], $0x8000, $0x38;
	[tilespmem:$0x18000] =	vst v63  }
0x23e: {  	_ =	swait.ge [sflag:s7], $0x8000  }
0x23f: {  	[sflag:s7] =	ssyncset.done $0x0  }
0x240: {  	s1 =	rddreg [dreg:$0x1a];
	[sflag:s7] =	ssyncadd.s32 $0xFFFF8000  }
0x241: {  	[tilespmem:s2], [sflag:$0x1] =	stream.linear.gather [hbm4b:s1+s2], $0x8000, $0x38;
	[tilespmem:$0x18000] =	vst v63  }
0x242: {  	_ =	swait.ge [sflag:s19], $0x8000  }
0x243: {  	[sflag:s19] =	ssyncset.done $0x0  }
0x244: {  	s1 =	rddreg [dreg:$0x1b];
	[sflag:s19] =	ssyncadd.s32 $0xFFFF8000  }
0x245: {  	[hbm4b:s1+s2] =	stream.linear.scatter [tilespmem:s17], [sflag:$0x6], $0x8000, $0x38;
	[tilespmem:$0x18000] =	vst v63  }
0x246: {  	_ =	swait.ge [sflag:s5], $0x8000  }
0x247: {  	[sflag:s5] =	ssyncset.done $0x0  }
0x248: {  	s1 =	rddreg [dreg:$0x1c];
	[sflag:s5] =	ssyncadd.s32 $0xFFFF8000  }
0x249: {  	[tilespmem:s4], [sflag:$0x2] =	stream.linear.gather [hbm4b:s1+s2], $0x8000, $0x38;
	[tilespmem:$0x18000] =	vst v63  }
0x24a: {  	_ =	swait.ge [sflag:s9], $0x8000  }
0x24b: {  	[sflag:s9] =	ssyncset.done $0x0  }
0x24c: {  	s1 =	rddreg [dreg:$0x1d];
	[sflag:s9] =	ssyncadd.s32 $0xFFFF8000  }
0x24d: {  	[hbm4b:s1+s2] =	stream.linear.scatter [tilespmem:s2], [sflag:$0x4], $0x8000, $0x38;
	[tilespmem:$0x18000] =	vst v63  }
0x24e: {  	_ =	swait.ge [sflag:s12], $0x8000  }
0x24f: {  	[sflag:s12] =	ssyncset.done $0x0  }
0x250: {  	s1 =	rddreg [dreg:$0x1e];
	[sflag:s12] =	ssyncadd.s32 $0xFFFF8000  }
0x251: {  	[tilespmem:s17], [sflag:$0x3] =	stream.linear.gather [hbm4b:s1+s2], $0x8000, $0x38;
	[tilespmem:$0x18000] =	vst v63  }
0x252: {  	_ =	swait.ge [sflag:s11], $0x8000  }
0x253: {  	[sflag:s11] =	ssyncset.done $0x0  }
0x254: {  	s1 =	rddreg [dreg:$0x1f];
	[sflag:s11] =	ssyncadd.s32 $0xFFFF8000  }
0x255: {  	[hbm4b:s1+s2] =	stream.linear.scatter [tilespmem:s4], [sflag:$0x5], $0x8000, $0x38;
	[tilespmem:$0x18000] =	vst v63  }
0x256: {  	_ =	swait.ge [sflag:s7], $0x8000  }
0x257: {  	s1 =	sld [smem:$0x7FB]  }
0x258: {  	[sflag:s7] =	ssyncset.done $0x0  }
0x259: {  	[sflag:s7] =	ssyncadd.s32 $0xFFFF8000  }
0x25a: {  	[tilespmem:s2], [sflag:$0x1] =	stream.linear.gather [hbm4b:s1+s2], $0x8000, $0x38;
	[tilespmem:$0x18000] =	vst v63  }
0x25b: {  	_ =	swait.ge [sflag:s19], $0x8000  }
0x25c: {  	s1 =	sld [smem:$0x7FC]  }
0x25d: {  	[sflag:s19] =	ssyncset.done $0x0  }
0x25e: {  	[sflag:s19] =	ssyncadd.s32 $0xFFFF8000  }
0x25f: {  	[hbm4b:s1+s2] =	stream.linear.scatter [tilespmem:s17], [sflag:$0x6], $0x8000, $0x38;
	[tilespmem:$0x18000] =	vst v63  }
0x260: {  	_ =	swait.ge [sflag:s5], $0x8000  }
0x261: {  	s1 =	sld [smem:$0x7FD]  }
0x262: {  	[sflag:s5] =	ssyncset.done $0x0  }
0x263: {  	[sflag:s5] =	ssyncadd.s32 $0xFFFF8000  }
0x264: {  	[tilespmem:s4], [sflag:$0x2] =	stream.linear.gather [hbm4b:s1+s2], $0x8000, $0x38;
	[tilespmem:$0x18000] =	vst v63  }
0x265: {  	_ =	swait.ge [sflag:s9], $0x8000  }
0x266: {  	[sflag:s9] =	ssyncset.done $0x0  }
0x267: {  	[sflag:s9] =	ssyncadd.s32 $0xFFFF8000  }
0x268: {  	[hbm4b:s31+s2] =	stream.linear.scatter [tilespmem:s2], [sflag:$0x4], $0x8000, $0x38;
	[tilespmem:$0x18000] =	vst v63  }
0x269: {  	_ =	swait.ge [sflag:s12], $0x8000  }
0x26a: {  	[sflag:s12] =	ssyncset.done $0x0  }
0x26b: {  	[sflag:s12] =	ssyncadd.s32 $0xFFFF8000  }
0x26c: {  	[tilespmem:s17], [sflag:$0x3] =	stream.linear.gather [hbm4b:s30+s2], $0x8000, $0x38;
	[tilespmem:$0x18000] =	vst v63  }
0x26d: {  	_ =	swait.ge [sflag:s11], $0x8000  }
0x26e: {  	[sflag:s11] =	ssyncset.done $0x0  }
0x26f: {  	[sflag:s11] =	ssyncadd.s32 $0xFFFF8000  }
0x270: {  	[hbm4b:s29+s2] =	stream.linear.scatter [tilespmem:s4], [sflag:$0x5], $0x8000, $0x38;
	[tilespmem:$0x18000] =	vst v63  }
0x271: {  	_ =	swait.ge [sflag:s7], $0x8000  }
0x272: {  	[sflag:s7] =	ssyncset.done $0x0  }
0x273: {  	[sflag:s7] =	ssyncadd.s32 $0xFFFF8000  }
0x274: {  	[tilespmem:s2], [sflag:$0x1] =	stream.linear.gather [hbm4b:s28+s2], $0x8000, $0x38;
	[tilespmem:$0x18000] =	vst v63  }
0x275: {  	_ =	swait.ge [sflag:s19], $0x8000  }
0x276: {  	[sflag:s19] =	ssyncset.done $0x0  }
0x277: {  	[sflag:s19] =	ssyncadd.s32 $0xFFFF8000  }
0x278: {  	[hbm4b:s26+s2] =	stream.linear.scatter [tilespmem:s17], [sflag:$0x6], $0x8000, $0x38;
	[tilespmem:$0x18000] =	vst v63  }
0x279: {  	_ =	swait.ge [sflag:s5], $0x8000  }
0x27a: {  	[sflag:s5] =	ssyncset.done $0x0  }
0x27b: {  	[sflag:s5] =	ssyncadd.s32 $0xFFFF8000  }
0x27c: {  	[tilespmem:s4], [sflag:$0x2] =	stream.linear.gather [hbm4b:s25+s2], $0x8000, $0x38;
	[tilespmem:$0x18000] =	vst v63  }
0x27d: {  	_ =	swait.ge [sflag:s9], $0x8000  }
0x27e: {  	[sflag:s9] =	ssyncset.done $0x0  }
0x27f: {  	[sflag:s9] =	ssyncadd.s32 $0xFFFF8000  }
0x280: {  	[hbm4b:s24+s2] =	stream.linear.scatter [tilespmem:s2], [sflag:$0x4], $0x8000, $0x38;
	[tilespmem:$0x18000] =	vst v63  }
0x281: {  	_ =	swait.ge [sflag:s12], $0x8000  }
0x282: {  	[sflag:s12] =	ssyncset.done $0x0  }
0x283: {  	[sflag:s12] =	ssyncadd.s32 $0xFFFF8000  }
0x284: {  	[tilespmem:s17], [sflag:$0x3] =	stream.linear.gather [hbm4b:s23+s2], $0x8000, $0x38;
	[tilespmem:$0x18000] =	vst v63  }
0x285: {  	_ =	swait.ge [sflag:s11], $0x8000  }
0x286: {  	[sflag:s11] =	ssyncset.done $0x0  }
0x287: {  	[sflag:s11] =	ssyncadd.s32 $0xFFFF8000  }
0x288: {  	[hbm4b:s22+s2] =	stream.linear.scatter [tilespmem:s4], [sflag:$0x5], $0x8000, $0x38;
	[tilespmem:$0x18000] =	vst v63  }
0x289: {  	_ =	swait.ge [sflag:s7], $0x8000  }
0x28a: {  	[sflag:s7] =	ssyncset.done $0x0  }
0x28b: {  	[sflag:s7] =	ssyncadd.s32 $0xFFFF8000  }
0x28c: {  	[tilespmem:s2], [sflag:$0x1] =	stream.linear.gather [hbm4b:s21+s2], $0x8000, $0x38;
	[tilespmem:$0x18000] =	vst v63  }
0x28d: {  	_ =	swait.ge [sflag:s19], $0x8000  }
0x28e: {  	[sflag:s19] =	ssyncset.done $0x0  }
0x28f: {  	[sflag:s19] =	ssyncadd.s32 $0xFFFF8000  }
0x290: {  	[hbm4b:s20+s2] =	stream.linear.scatter [tilespmem:s17], [sflag:$0x6], $0x8000, $0x38;
	[tilespmem:$0x18000] =	vst v63  }
0x291: {  	_ =	swait.ge [sflag:s5], $0x8000  }
0x292: {  	[sflag:s5] =	ssyncset.done $0x0  }
0x293: {  	[sflag:s5] =	ssyncadd.s32 $0xFFFF8000  }
0x294: {  	[tilespmem:s4], [sflag:$0x2] =	stream.linear.gather [hbm4b:s18+s2], $0x8000, $0x38;
	[tilespmem:$0x18000] =	vst v63  }
0x295: {  	_ =	swait.ge [sflag:s9], $0x8000  }
0x296: {  	[sflag:s9] =	ssyncset.done $0x0  }
0x297: {  	[sflag:s9] =	ssyncadd.s32 $0xFFFF8000  }
0x298: {  	[hbm4b:s16+s2] =	stream.linear.scatter [tilespmem:s2], [sflag:$0x4], $0x8000, $0x38;
	[tilespmem:$0x18000] =	vst v63  }
0x299: {  	_ =	swait.ge [sflag:s12], $0x8000  }
0x29a: {  	[sflag:s12] =	ssyncset.done $0x0  }
0x29b: {  	[sflag:s12] =	ssyncadd.s32 $0xFFFF8000  }
0x29c: {  	[tilespmem:s17], [sflag:$0x3] =	stream.linear.gather [hbm4b:s15+s2], $0x8000, $0x38;
	[tilespmem:$0x18000] =	vst v63  }
0x29d: {  	_ =	swait.ge [sflag:s11], $0x8000  }
0x29e: {  	[sflag:s11] =	ssyncset.done $0x0  }
0x29f: {  	[sflag:s11] =	ssyncadd.s32 $0xFFFF8000  }
0x2a0: {  	[hbm4b:s14+s2] =	stream.linear.scatter [tilespmem:s4], [sflag:$0x5], $0x8000, $0x38;
	[tilespmem:$0x18000] =	vst v63  }
0x2a1: {  	_ =	swait.ge [sflag:s7], $0x8000  }
0x2a2: {  	[sflag:s7] =	ssyncset.done $0x0  }
0x2a3: {  	[sflag:s7] =	ssyncadd.s32 $0xFFFF8000  }
0x2a4: {  	[tilespmem:s2], [sflag:$0x1] =	stream.linear.gather [hbm4b:s13+s2], $0x8000, $0x38;
	[tilespmem:$0x18000] =	vst v63  }
0x2a5: {  	_ =	swait.ge [sflag:s19], $0x8000  }
0x2a6: {  	[sflag:s19] =	ssyncset.done $0x0  }
0x2a7: {  	[sflag:s19] =	ssyncadd.s32 $0xFFFF8000  }
0x2a8: {  	[hbm4b:s10+s2] =	stream.linear.scatter [tilespmem:s17], [sflag:$0x6], $0x8000, $0x38;
	[tilespmem:$0x18000] =	vst v63  }
0x2a9: {  	_ =	swait.ge [sflag:s5], $0x8000  }
0x2aa: {  	[sflag:s5] =	ssyncset.done $0x0  }
0x2ab: {  	[sflag:s5] =	ssyncadd.s32 $0xFFFF8000  }
0x2ac: {  	[tilespmem:s4], [sflag:$0x2] =	stream.linear.gather [hbm4b:s8+s2], $0x8000, $0x38;
	[tilespmem:$0x18000] =	vst v63  }
0x2ad: {  	_ =	swait.ge [sflag:s9], $0x8000  }
0x2ae: {  	[sflag:s9] =	ssyncset.done $0x0  }
0x2af: {  	[sflag:s9] =	ssyncadd.s32 $0xFFFF8000  }
0x2b0: {  	[hbm4b:s6+s2] =	stream.linear.scatter [tilespmem:s2], [sflag:$0x4], $0x8000, $0x38;
	[tilespmem:$0x18000] =	vst v63  }
0x2b1: {  	_ =	swait.ge [sflag:s11], $0x8000  }
0x2b2: {  	[sflag:s11] =	ssyncset.done $0x0  }
0x2b3: {  	[sflag:s11] =	ssyncadd.s32 $0xFFFF8000  }
0x2b4: {  	[hbm4b:s3+s2] =	stream.linear.scatter [tilespmem:s4], [sflag:$0x5], $0x8000, $0x38;
	[tilespmem:$0x18000] =	vst v63  }
0x2b5: {  	_ =	swait.ge [sflag:s12], $0x8000  }
0x2b6: {  	[sflag:s12] =	ssyncset.done $0x0  }
0x2b7: {  	[sflag:s12] =	ssyncadd.s32 $0xFFFF8000  }
0x2b8: {  	_ =	swait.ge [sflag:s7], $0x8000  }
0x2b9: {  	[sflag:s7] =	ssyncset.done $0x0  }
0x2ba: {  	[sflag:s7] =	ssyncadd.s32 $0xFFFF8000  }
0x2bb: {  	_ =	swait.ge [sflag:s5], $0x8000  }
0x2bc: {  	[sflag:s5] =	ssyncset.done $0x0  }
0x2bd: {  	[sflag:s5] =	ssyncadd.s32 $0xFFFF8000  }
0x2be: {  	_ =	sfence.sel $0x180000  }
0x2bf: {  	[bflag:$0x0] =	sbarrier.arrive $0xFFFF  }
0x2c0: {  	_ =	strace $0x90000047  }
0x2c1: {  	s31 =	stileid.u32;
	[bflag:$0x2] =	sbarrier.arrive $0xFFFF  }
0x2c2: {  	p0 =	sne.s32 s31, $0x0;
	s0 =	rddreg [dreg:$0x2]  }
0x2c3: {  	s0 =	sadd.s32 @!p0 $0x100000, s0  }
0x2c4: {  	[sflag:s0] =	ssyncadd.tile.s32 @!p0 $0x1;
	_ =	shalt  }
.Lfunc_end2:
_tile_overlayer_lowered:
.L_overlay_start_2:
0x2c5: {  	(tag) =	ssettag $0x2  }
0x2c6: {  	s0 =	rddreg [dreg:$0x0];
	s2 =	stileid.u32  }
0x2c7: {  	s1 =	rddreg [dreg:$0x1];
	p0 =	sne.s32 s2, $0x0  }
0x2c8: {  	s3 =	rddreg [dreg:$0x2];
	[bflag:$0x3] =	sbarrier.arrive $0xFFFF;
	s2 =	simm.s32 @!p0 $0x1C07  }
0x2c9: {  	[timem:s3], [sflag:s2] =	dma.local @!p0 [hbm:s0], s1  }
0x2ca: {  	s0 =	simm.s32 @!p0 $0x7  }
0x2cb: {  	_ =	swait.ge @!p0 [sflag:s0], s1  }
0x2cc: {  	s1 =	ssub.s32 @!p0 $0x0, s1;
	[sflag:s0] =	ssyncset.done @!p0 $0x0  }
0x2cd: {  	[sflag:s0] =	ssyncadd.s32 @!p0 s1  }
0x2ce: {  	[bflag:$0x3] =	sbarrier.arrive $0xFFFF  }
0x2cf: {  	_ =	shalt  }

</sc_bundles>
